<compile_context>
chip_gen: v7x
topology: tpu7x:2x2x1
jax: 0.10.2.dev20260603
libtpu: 0.0.44.dev20260713+nightly
codegen_flags: <defaults>
</compile_context>

<pallas_src>
import functools

import jax
import jax.numpy as jnp
from jax import lax
from jax.experimental import pallas as pl
from jax.experimental.pallas import tpu as pltpu
from jax.experimental.pallas import tpu_sc as plsc

K = 8
NSEL = 12
NSLOT = 16
CH = 128
BIG = 3.0e38
IBIG = 2**30


def _k1_body(x_ref, xt_ref, mask_ref, st_ref, mg_ref):
    qb = x_ref.shape[0]
    nb_cols = xt_ref.shape[1]
    x = x_ref[...]
    xt = xt_ref[...]
    dot = lax.dot_general(
        x, xt, (((1,), (0,)), ((), ())),
        preferred_element_type=jnp.float32,
        precision=lax.Precision.DEFAULT,
    )
    t2 = jnp.sum(xt * xt, axis=0)
    x2 = jnp.sum(x * x, axis=1)
    s = (x2[:, None] + t2[None, :]) - 2.0 * dot
    s = jnp.maximum(s, 0.0) + mask_ref[...][None, :]
    st_ref[...] = jnp.stack(
        [s[:, v * CH:(v + 1) * CH] for v in range(nb_cols // CH)], axis=0)
    m = jnp.min(s.reshape(qb, nb_cols // CH, CH), axis=2)
    mg_ref[...] = m.T


def _k2_body(q_total, dummy_g, mg_ref, out_ref):
    i = pl.program_id(0)
    qb = mg_ref.shape[1]
    cand = mg_ref[...]
    n_groups = cand.shape[0]
    row = jax.lax.broadcasted_iota(jnp.int32, (n_groups, qb), 0)
    gids = []
    for _ in range(NSEL):
        a = jnp.argmin(cand, axis=0).astype(jnp.int32)
        gids.append(a)
        cand = jnp.where(row == a[None, :], BIG, cand)
    for _ in range(NSLOT - NSEL):
        gids.append(jnp.full((qb,), dummy_g, jnp.int32))
    g = jnp.stack(gids, axis=0)
    qidx = jax.lax.broadcasted_iota(jnp.int32, (NSLOT, qb), 1) + i * qb
    out_ref[...] = g * q_total + qidx


def _sc_gather(table, idx):
    info = plsc.get_sparse_core_info()
    nw = info.num_cores * info.num_subcores
    nslot, qdim = idx.shape
    b = nslot * qdim
    rounds = 4
    part = b // nw // rounds
    w_per_slot = qdim // (part * rounds)
    d = table.shape[1]
    mesh = plsc.VectorSubcoreMesh(core_axis_name="c", subcore_axis_name="s")

    @functools.partial(
        pl.kernel, mesh=mesh,
        out_type=jax.ShapeDtypeStruct((b, d), jnp.float32),
        scratch_types=[
            pltpu.VMEM((part,), jnp.int32),
            pltpu.VMEM((part, d), jnp.float32),
            pltpu.SemaphoreType.DMA,
        ],
    )
    def k(table_hbm, idx_hbm, out_hbm, idx_v, rows_v, sem):
        wid = lax.axis_index("s") * info.num_cores + lax.axis_index("c")
        slot = wid // w_per_slot
        for h in range(rounds):
            qbase = (wid % w_per_slot) * (part * rounds) + h * part
            pltpu.sync_copy(idx_hbm.at[slot, pl.ds(qbase, part)], idx_v)
            pltpu.async_copy(table_hbm.at[idx_v], rows_v, sem).wait()
            pltpu.sync_copy(rows_v, out_hbm.at[pl.ds(slot * qdim + qbase, part)])

    return k(table, idx)


def _k4_body(q_total, sv_ref, g_ref, y2_ref, out_ref):
    qb = sv_ref.shape[1]
    sv = sv_ref[...]
    g = g_ref[...] // q_total
    lanes = jax.lax.broadcasted_iota(jnp.int32, (NSLOT, qb, CH), 2)
    orig = g[:, :, None] * CH + lanes

    top_i = []
    for _ in range(K):
        vm = jnp.min(jnp.min(sv, axis=0), axis=1)
        hit = sv == vm[None, :, None]
        li = jnp.min(jnp.min(jnp.where(hit, orig, IBIG), axis=0), axis=1)
        top_i.append(li)
        sv = jnp.where(hit & (orig == li[None, :, None]), BIG, sv)

    y2 = y2_ref[...]
    r_dim = y2.shape[0]
    labels = []
    for gi in top_i:
        r = gi // 128
        c = gi - r * 128
        oh_r = (jax.lax.broadcasted_iota(jnp.int32, (qb, r_dim), 1)
                == r[:, None]).astype(jnp.float32)
        rowv = jax.lax.dot_general(
            oh_r, y2, (((1,), (0,)), ((), ())),
            preferred_element_type=jnp.float32,
        )
        oh_c = (jax.lax.broadcasted_iota(jnp.int32, (qb, 128), 1)
                == c[:, None]).astype(jnp.float32)
        labels.append(jnp.sum(rowv * oh_c, axis=1))

    counts = []
    for k in range(K):
        cnt = jnp.zeros((qb,), jnp.float32)
        for m in range(K):
            cnt = cnt + (labels[k] == labels[m]).astype(jnp.float32)
        counts.append(cnt)
    keys = [counts[k] * 1024.0 - labels[k] for k in range(K)]
    best = keys[0]
    for k in range(1, K):
        best = jnp.maximum(best, keys[k])
    y = jnp.full((qb,), 1.0e9, jnp.float32)
    for k in range(K):
        y = jnp.minimum(y, jnp.where(keys[k] == best, labels[k], 1.0e9))
    out_ref[...] = y.astype(jnp.int32)


def kernel(X, X_train, y_train):
    q, d = X.shape
    n = X_train.shape[0]
    qb = 256
    nb_cols = 4096
    n_qb = q // qb
    nb = -(-n // nb_cols)
    n_pad = nb * nb_cols
    n_groups = n_pad // CH

    xt = jnp.pad(X_train.T, ((0, 0), (0, n_pad - n)))
    mask = jnp.where(jnp.arange(n_pad) < n, 0.0, BIG).astype(jnp.float32)
    y2d = (jnp.pad(y_train.astype(jnp.float32), (0, n_pad - n))
           .reshape(n_groups, CH))

    st, mg = pl.pallas_call(
        _k1_body,
        grid=(nb, n_qb),
        in_specs=[
            pl.BlockSpec((qb, d), lambda j, i: (i, 0)),
            pl.BlockSpec((d, nb_cols), lambda j, i: (0, j)),
            pl.BlockSpec((nb_cols,), lambda j, i: (j,)),
        ],
        out_specs=[
            pl.BlockSpec((nb_cols // CH, qb, CH), lambda j, i: (j, i, 0)),
            pl.BlockSpec((nb_cols // CH, qb), lambda j, i: (j, i)),
        ],
        out_shape=[
            jax.ShapeDtypeStruct((n_groups, q, CH), jnp.float32),
            jax.ShapeDtypeStruct((n_groups, q), jnp.float32),
        ],
    )(X, xt, mask)

    flat = pl.pallas_call(
        functools.partial(_k2_body, q, n_groups - 1),
        grid=(n_qb,),
        in_specs=[pl.BlockSpec((n_groups, qb), lambda i: (0, i))],
        out_specs=pl.BlockSpec((NSLOT, qb), lambda i: (0, i)),
        out_shape=jax.ShapeDtypeStruct((NSLOT, q), jnp.int32),
    )(mg)

    sv = _sc_gather(st.reshape(q * n_groups, CH), flat)

    out = pl.pallas_call(
        functools.partial(_k4_body, q),
        grid=(n_qb,),
        in_specs=[
            pl.BlockSpec((NSLOT, qb, CH), lambda i: (0, i, 0)),
            pl.BlockSpec((NSLOT, qb), lambda i: (0, i)),
            pl.BlockSpec((n_groups, CH), lambda i: (0, 0)),
        ],
        out_specs=pl.BlockSpec((qb,), lambda i: (i,)),
        out_shape=jax.ShapeDtypeStruct((q,), jnp.int32),
    )(sv.reshape(NSLOT, q, CH), flat, y2d)
    return out

# --- scband reference (transcript-rebuilt; emitter-appended) ---
"""Pipeline reference for scband-knnclassifier-25116968747365 (READ-ONLY COPY).

The authoritative reference and input builder live on the scoring server;
editing this copy changes nothing except your own understanding.
"""

import jax, jax.numpy as jnp
import numpy as np

K = 8
NUM_CLASSES = 100

def setup_inputs(seed: int = 0) -> dict:
    key = jax.random.key(seed)
    k1, k2, k3 = jax.random.split(key, 3)
    X = jax.random.normal(k1, (4096, 128), dtype=jnp.float32)
    X_train = jax.random.normal(k2, (100000, 128), dtype=jnp.float32)
    y_train = jax.random.randint(k3, (100000,), 0, NUM_CLASSES, dtype=jnp.int64 if jax.config.read('jax_enable_x64') else jnp.int32)
    return {"X": X, "X_train": X_train, "y_train": y_train}

def reference(X, X_train, y_train):
    # torch.cdist (p=2, euclidean) via expanded squared-distance formula
    x2 = jnp.sum(X * X, axis=1, keepdims=True)            # [Q, 1]
    t2 = jnp.sum(X_train * X_train, axis=1)               # [N]
    d2 = x2 + t2[None, :] - 2.0 * (X @ X_train.T)         # [Q, N]
    distances = jnp.sqrt(jnp.maximum(d2, 0.0))
    # topk smallest distances
    neg_vals, knn_indices = jax.lax.top_k(-distances, K)  # [Q, K]
    knn_labels = jnp.take(y_train, knn_indices, axis=0)   # [Q, K]
    # torch.mode over dim=1: most frequent label; ties -> smallest label value.
    # one-hot count per class, argmax (returns first/lowest index on ties -> smallest label, matching torch.mode)
    counts = jax.nn.one_hot(knn_labels, NUM_CLASSES, dtype=jnp.float32).sum(axis=1)  # [Q, C]
    y_pred = jnp.argmax(counts, axis=-1)
    return y_pred

if __name__ == "__main__":
    import jax
    _d = setup_inputs()
    print(jax.jit(kernel)(*tuple(_d.values())))

</pallas_src>

<mosaic_0001>
#map = affine_map<(d0, d1) -> (0, 0)>
module attributes {stable_mosaic.version = 14 : i64} {
  func.func @k(%arg0: i32, %arg1: i32, %arg2: memref<3276800x128xf32, #tpu.memory_space<hbm>>, %arg3: memref<16x4096xi32, #tpu.memory_space<hbm>>, %arg4: memref<65536x128xf32, #tpu.memory_space<hbm>>, %arg5: memref<512xi32, #tpu.memory_space<vmem>>, %arg6: memref<512x128xf32, #tpu.memory_space<vmem>>, %arg7: memref<!tpu.dma_semaphore, #tpu.memory_space<semaphore_mem>>) attributes {dimension_semantics = [#tpu.dimension_semantics<core_parallel>, #tpu.dimension_semantics<subcore_parallel>], iteration_bounds = array<i64: 2, 16>, scalar_prefetch = 0 : i64, scratch_operands = 3 : i64, tpu.core_type = #tpu.core_type<sc_vector_subcore>, window_params = [{transform_indices = #map}, {transform_indices = #map}, {transform_indices = #map}]} {
    %mul3A = arith.constant 2 : i32
    %mul3A_0 = arith.muli %arg1, %mul3A : i32
    %add3A = arith.addi %mul3A_0, %arg0 : i32
    %jit3A = arith.constant 2 : i32
    %div3A = arith.divsi %add3A, %jit3A : i32
    %sign3A = arith.constant 0 : i32
    %sign3A_1 = arith.cmpi sgt, %add3A, %sign3A : i32
    %sign3A_2 = arith.extui %sign3A_1 : i1 to i32
    %sign3A_3 = arith.constant 0 : i32
    %sign3A_4 = arith.cmpi slt, %add3A, %sign3A_3 : i32
    %sign3A_5 = arith.extui %sign3A_4 : i1 to i32
    %sign3A_6 = arith.subi %sign3A_2, %sign3A_5 : i32
    %sign3A_7 = arith.constant 0 : i32
    %sign3A_8 = arith.cmpi sgt, %jit3A, %sign3A_7 : i32
    %sign3A_9 = arith.extui %sign3A_8 : i1 to i32
    %sign3A_10 = arith.constant 0 : i32
    %sign3A_11 = arith.cmpi slt, %jit3A, %sign3A_10 : i32
    %sign3A_12 = arith.extui %sign3A_11 : i1 to i32
    %sign3A_13 = arith.subi %sign3A_9, %sign3A_12 : i32
    %ne3A = arith.cmpi ne, %sign3A_6, %sign3A_13 : i32
    %rem3A = arith.remsi %add3A, %jit3A : i32
    %ne3A_14 = arith.constant 0 : i32
    %ne3A_15 = arith.cmpi ne, %rem3A, %ne3A_14 : i32
    %and3A = arith.andi %ne3A, %ne3A_15 : i1
    %sub3A = arith.constant 1 : i32
    %sub3A_16 = arith.subi %div3A, %sub3A : i32
    %select_n3A = arith.select %and3A, %sub3A_16, %div3A : i32
    %jit3A_17 = arith.constant 2 : i32
    %eq3A = arith.constant 0 : i32
    %eq3A_18 = arith.cmpi eq, %jit3A_17, %eq3A : i32
    %jit3A_19 = arith.constant 1 : i32
    %select_n3A_20 = arith.select %eq3A_18, %jit3A_19, %jit3A_17 : i32
    %rem3A_21 = arith.remsi %add3A, %select_n3A_20 : i32
    %ne3A_22 = arith.constant 0 : i32
    %ne3A_23 = arith.cmpi ne, %rem3A_21, %ne3A_22 : i32
    %lt3A = arith.constant 0 : i32
    %lt3A_24 = arith.cmpi slt, %rem3A_21, %lt3A : i32
    %lt3A_25 = arith.constant 0 : i32
    %lt3A_26 = arith.cmpi slt, %select_n3A_20, %lt3A_25 : i32
    %ne3A_27 = arith.xori %lt3A_24, %lt3A_26 : i1
    %and3A_28 = arith.andi %ne3A_27, %ne3A_23 : i1
    %add3A_29 = arith.addi %rem3A_21, %select_n3A_20 : i32
    %select_n3A_30 = arith.select %and3A_28, %add3A_29, %rem3A_21 : i32
    %mul3A_31 = arith.constant 2048 : i32
    %mul3A_32 = arith.muli %select_n3A_30, %mul3A_31 : i32
    %add3A_33 = arith.constant 0 : i32
    %add3A_34 = arith.addi %mul3A_32, %add3A_33 : i32
    "tpu.region"() ({
      %run_scoped3A = tpu.sem_alloc : memref<!tpu.dma_semaphore, #tpu.memory_space<semaphore_mem>>
      %dma_start3A_129 = tpu.memref_slice %arg3[%select_n3A, %add3A_34] : memref<16x4096xi32, #tpu.memory_space<hbm>> -> memref<1x512xi32, #tpu.memory_space<hbm>>
      %dma_start3A_130 = tpu.memref_squeeze %dma_start3A_129 : memref<1x512xi32, #tpu.memory_space<hbm>> -> memref<512xi32, #tpu.memory_space<hbm>>
      %dma_start3A_131 = tpu.memref_slice %arg3[%select_n3A, %add3A_34] : memref<16x4096xi32, #tpu.memory_space<hbm>> -> memref<1x512xi32, #tpu.memory_space<hbm>>
      %dma_start3A_132 = tpu.memref_squeeze %dma_start3A_131 : memref<1x512xi32, #tpu.memory_space<hbm>> -> memref<512xi32, #tpu.memory_space<hbm>>
      tpu.enqueue_dma source(%dma_start3A_132 : memref<512xi32, #tpu.memory_space<hbm>>) target(%arg5 : memref<512xi32, #tpu.memory_space<vmem>>) target_semaphore(%run_scoped3A : memref<!tpu.dma_semaphore, #tpu.memory_space<semaphore_mem>>)
      %dma_wait3A_133 = tpu.memref_slice %arg3[%select_n3A, %add3A_34] : memref<16x4096xi32, #tpu.memory_space<hbm>> -> memref<1x512xi32, #tpu.memory_space<hbm>>
      %dma_wait3A_134 = tpu.memref_squeeze %dma_wait3A_133 : memref<1x512xi32, #tpu.memory_space<hbm>> -> memref<512xi32, #tpu.memory_space<hbm>>
      %dma_wait3A_135 = tpu.memref_slice %arg3[%select_n3A, %add3A_34] : memref<16x4096xi32, #tpu.memory_space<hbm>> -> memref<1x512xi32, #tpu.memory_space<hbm>>
      %dma_wait3A_136 = tpu.memref_squeeze %dma_wait3A_135 : memref<1x512xi32, #tpu.memory_space<hbm>> -> memref<512xi32, #tpu.memory_space<hbm>>
      tpu.wait_dma2 semaphore(%run_scoped3A : memref<!tpu.dma_semaphore, #tpu.memory_space<semaphore_mem>>) src(%dma_wait3A_136 : memref<512xi32, #tpu.memory_space<hbm>>) dst(%arg5 : memref<512xi32, #tpu.memory_space<vmem>>)
      tpu.yield
    }) : () -> ()
    %dma_start3A = arith.constant 0 : i32
    %dma_start3A_35 = arith.constant 0 : i32
    %dma_start3A_36 = tpu.memref_slice %arg2[%dma_start3A, %dma_start3A_35] : memref<3276800x128xf32, #tpu.memory_space<hbm>> -> memref<3276800x128xf32, #tpu.memory_space<hbm>>
    tpu.enqueue_indirect_dma source(%dma_start3A_36 : memref<3276800x128xf32, #tpu.memory_space<hbm>>) target(%arg6 : memref<512x128xf32, #tpu.memory_space<vmem>>) offsets(%arg5 : memref<512xi32, #tpu.memory_space<vmem>>) semaphore(%arg7 : memref<!tpu.dma_semaphore, #tpu.memory_space<semaphore_mem>>)
    %dma_wait3A = arith.constant 0 : i32
    %dma_wait3A_37 = arith.constant 0 : i32
    %dma_wait3A_38 = tpu.memref_slice %arg2[%dma_wait3A, %dma_wait3A_37] : memref<3276800x128xf32, #tpu.memory_space<hbm>> -> memref<3276800x128xf32, #tpu.memory_space<hbm>>
    tpu.wait_indirect_dma semaphore(%arg7 : memref<!tpu.dma_semaphore, #tpu.memory_space<semaphore_mem>>) src(%dma_wait3A_38 : memref<3276800x128xf32, #tpu.memory_space<hbm>>) dst(%arg6 : memref<512x128xf32, #tpu.memory_space<vmem>>)
    %mul3A_39 = arith.constant 4096 : i32
    %mul3A_40 = arith.muli %select_n3A, %mul3A_39 : i32
    %add3A_41 = arith.addi %mul3A_40, %add3A_34 : i32
    "tpu.region"() ({
      %run_scoped3A = tpu.sem_alloc : memref<!tpu.dma_semaphore, #tpu.memory_space<semaphore_mem>>
      %dma_start3A_129 = arith.constant 0 : i32
      %dma_start3A_130 = tpu.memref_slice %arg4[%add3A_41, %dma_start3A_129] : memref<65536x128xf32, #tpu.memory_space<hbm>> -> memref<512x128xf32, #tpu.memory_space<hbm>>
      %dma_start3A_131 = arith.constant 0 : i32
      %dma_start3A_132 = tpu.memref_slice %arg4[%add3A_41, %dma_start3A_131] : memref<65536x128xf32, #tpu.memory_space<hbm>> -> memref<512x128xf32, #tpu.memory_space<hbm>>
      tpu.enqueue_dma source(%arg6 : memref<512x128xf32, #tpu.memory_space<vmem>>) target(%dma_start3A_132 : memref<512x128xf32, #tpu.memory_space<hbm>>) target_semaphore(%run_scoped3A : memref<!tpu.dma_semaphore, #tpu.memory_space<semaphore_mem>>)
      %dma_wait3A_133 = arith.constant 0 : i32
      %dma_wait3A_134 = tpu.memref_slice %arg4[%add3A_41, %dma_wait3A_133] : memref<65536x128xf32, #tpu.memory_space<hbm>> -> memref<512x128xf32, #tpu.memory_space<hbm>>
      %dma_wait3A_135 = arith.constant 0 : i32
      %dma_wait3A_136 = tpu.memref_slice %arg4[%add3A_41, %dma_wait3A_135] : memref<65536x128xf32, #tpu.memory_space<hbm>> -> memref<512x128xf32, #tpu.memory_space<hbm>>
      tpu.wait_dma2 semaphore(%run_scoped3A : memref<!tpu.dma_semaphore, #tpu.memory_space<semaphore_mem>>) src(%arg6 : memref<512x128xf32, #tpu.memory_space<vmem>>) dst(%dma_wait3A_136 : memref<512x128xf32, #tpu.memory_space<hbm>>)
      tpu.yield
    }) : () -> ()
    %jit3A_42 = arith.constant 2 : i32
    %eq3A_43 = arith.constant 0 : i32
    %eq3A_44 = arith.cmpi eq, %jit3A_42, %eq3A_43 : i32
    %jit3A_45 = arith.constant 1 : i32
    %select_n3A_46 = arith.select %eq3A_44, %jit3A_45, %jit3A_42 : i32
    %rem3A_47 = arith.remsi %add3A, %select_n3A_46 : i32
    %ne3A_48 = arith.constant 0 : i32
    %ne3A_49 = arith.cmpi ne, %rem3A_47, %ne3A_48 : i32
    %lt3A_50 = arith.constant 0 : i32
    %lt3A_51 = arith.cmpi slt, %rem3A_47, %lt3A_50 : i32
    %lt3A_52 = arith.constant 0 : i32
    %lt3A_53 = arith.cmpi slt, %select_n3A_46, %lt3A_52 : i32
    %ne3A_54 = arith.xori %lt3A_51, %lt3A_53 : i1
    %and3A_55 = arith.andi %ne3A_54, %ne3A_49 : i1
    %add3A_56 = arith.addi %rem3A_47, %select_n3A_46 : i32
    %select_n3A_57 = arith.select %and3A_55, %add3A_56, %rem3A_47 : i32
    %mul3A_58 = arith.constant 2048 : i32
    %mul3A_59 = arith.muli %select_n3A_57, %mul3A_58 : i32
    %add3A_60 = arith.constant 512 : i32
    %add3A_61 = arith.addi %mul3A_59, %add3A_60 : i32
    "tpu.region"() ({
      %run_scoped3A = tpu.sem_alloc : memref<!tpu.dma_semaphore, #tpu.memory_space<semaphore_mem>>
      %dma_start3A_129 = tpu.memref_slice %arg3[%select_n3A, %add3A_61] : memref<16x4096xi32, #tpu.memory_space<hbm>> -> memref<1x512xi32, #tpu.memory_space<hbm>>
      %dma_start3A_130 = tpu.memref_squeeze %dma_start3A_129 : memref<1x512xi32, #tpu.memory_space<hbm>> -> memref<512xi32, #tpu.memory_space<hbm>>
      %dma_start3A_131 = tpu.memref_slice %arg3[%select_n3A, %add3A_61] : memref<16x4096xi32, #tpu.memory_space<hbm>> -> memref<1x512xi32, #tpu.memory_space<hbm>>
      %dma_start3A_132 = tpu.memref_squeeze %dma_start3A_131 : memref<1x512xi32, #tpu.memory_space<hbm>> -> memref<512xi32, #tpu.memory_space<hbm>>
      tpu.enqueue_dma source(%dma_start3A_132 : memref<512xi32, #tpu.memory_space<hbm>>) target(%arg5 : memref<512xi32, #tpu.memory_space<vmem>>) target_semaphore(%run_scoped3A : memref<!tpu.dma_semaphore, #tpu.memory_space<semaphore_mem>>)
      %dma_wait3A_133 = tpu.memref_slice %arg3[%select_n3A, %add3A_61] : memref<16x4096xi32, #tpu.memory_space<hbm>> -> memref<1x512xi32, #tpu.memory_space<hbm>>
      %dma_wait3A_134 = tpu.memref_squeeze %dma_wait3A_133 : memref<1x512xi32, #tpu.memory_space<hbm>> -> memref<512xi32, #tpu.memory_space<hbm>>
      %dma_wait3A_135 = tpu.memref_slice %arg3[%select_n3A, %add3A_61] : memref<16x4096xi32, #tpu.memory_space<hbm>> -> memref<1x512xi32, #tpu.memory_space<hbm>>
      %dma_wait3A_136 = tpu.memref_squeeze %dma_wait3A_135 : memref<1x512xi32, #tpu.memory_space<hbm>> -> memref<512xi32, #tpu.memory_space<hbm>>
      tpu.wait_dma2 semaphore(%run_scoped3A : memref<!tpu.dma_semaphore, #tpu.memory_space<semaphore_mem>>) src(%dma_wait3A_136 : memref<512xi32, #tpu.memory_space<hbm>>) dst(%arg5 : memref<512xi32, #tpu.memory_space<vmem>>)
      tpu.yield
    }) : () -> ()
    %dma_start3A_62 = arith.constant 0 : i32
    %dma_start3A_63 = arith.constant 0 : i32
    %dma_start3A_64 = tpu.memref_slice %arg2[%dma_start3A_62, %dma_start3A_63] : memref<3276800x128xf32, #tpu.memory_space<hbm>> -> memref<3276800x128xf32, #tpu.memory_space<hbm>>
    tpu.enqueue_indirect_dma source(%dma_start3A_64 : memref<3276800x128xf32, #tpu.memory_space<hbm>>) target(%arg6 : memref<512x128xf32, #tpu.memory_space<vmem>>) offsets(%arg5 : memref<512xi32, #tpu.memory_space<vmem>>) semaphore(%arg7 : memref<!tpu.dma_semaphore, #tpu.memory_space<semaphore_mem>>)
    %dma_wait3A_65 = arith.constant 0 : i32
    %dma_wait3A_66 = arith.constant 0 : i32
    %dma_wait3A_67 = tpu.memref_slice %arg2[%dma_wait3A_65, %dma_wait3A_66] : memref<3276800x128xf32, #tpu.memory_space<hbm>> -> memref<3276800x128xf32, #tpu.memory_space<hbm>>
    tpu.wait_indirect_dma semaphore(%arg7 : memref<!tpu.dma_semaphore, #tpu.memory_space<semaphore_mem>>) src(%dma_wait3A_67 : memref<3276800x128xf32, #tpu.memory_space<hbm>>) dst(%arg6 : memref<512x128xf32, #tpu.memory_space<vmem>>)
    %mul3A_68 = arith.constant 4096 : i32
    %mul3A_69 = arith.muli %select_n3A, %mul3A_68 : i32
    %add3A_70 = arith.addi %mul3A_69, %add3A_61 : i32
    "tpu.region"() ({
      %run_scoped3A = tpu.sem_alloc : memref<!tpu.dma_semaphore, #tpu.memory_space<semaphore_mem>>
      %dma_start3A_129 = arith.constant 0 : i32
      %dma_start3A_130 = tpu.memref_slice %arg4[%add3A_70, %dma_start3A_129] : memref<65536x128xf32, #tpu.memory_space<hbm>> -> memref<512x128xf32, #tpu.memory_space<hbm>>
      %dma_start3A_131 = arith.constant 0 : i32
      %dma_start3A_132 = tpu.memref_slice %arg4[%add3A_70, %dma_start3A_131] : memref<65536x128xf32, #tpu.memory_space<hbm>> -> memref<512x128xf32, #tpu.memory_space<hbm>>
      tpu.enqueue_dma source(%arg6 : memref<512x128xf32, #tpu.memory_space<vmem>>) target(%dma_start3A_132 : memref<512x128xf32, #tpu.memory_space<hbm>>) target_semaphore(%run_scoped3A : memref<!tpu.dma_semaphore, #tpu.memory_space<semaphore_mem>>)
      %dma_wait3A_133 = arith.constant 0 : i32
      %dma_wait3A_134 = tpu.memref_slice %arg4[%add3A_70, %dma_wait3A_133] : memref<65536x128xf32, #tpu.memory_space<hbm>> -> memref<512x128xf32, #tpu.memory_space<hbm>>
      %dma_wait3A_135 = arith.constant 0 : i32
      %dma_wait3A_136 = tpu.memref_slice %arg4[%add3A_70, %dma_wait3A_135] : memref<65536x128xf32, #tpu.memory_space<hbm>> -> memref<512x128xf32, #tpu.memory_space<hbm>>
      tpu.wait_dma2 semaphore(%run_scoped3A : memref<!tpu.dma_semaphore, #tpu.memory_space<semaphore_mem>>) src(%arg6 : memref<512x128xf32, #tpu.memory_space<vmem>>) dst(%dma_wait3A_136 : memref<512x128xf32, #tpu.memory_space<hbm>>)
      tpu.yield
    }) : () -> ()
    %jit3A_71 = arith.constant 2 : i32
    %eq3A_72 = arith.constant 0 : i32
    %eq3A_73 = arith.cmpi eq, %jit3A_71, %eq3A_72 : i32
    %jit3A_74 = arith.constant 1 : i32
    %select_n3A_75 = arith.select %eq3A_73, %jit3A_74, %jit3A_71 : i32
    %rem3A_76 = arith.remsi %add3A, %select_n3A_75 : i32
    %ne3A_77 = arith.constant 0 : i32
    %ne3A_78 = arith.cmpi ne, %rem3A_76, %ne3A_77 : i32
    %lt3A_79 = arith.constant 0 : i32
    %lt3A_80 = arith.cmpi slt, %rem3A_76, %lt3A_79 : i32
    %lt3A_81 = arith.constant 0 : i32
    %lt3A_82 = arith.cmpi slt, %select_n3A_75, %lt3A_81 : i32
    %ne3A_83 = arith.xori %lt3A_80, %lt3A_82 : i1
    %and3A_84 = arith.andi %ne3A_83, %ne3A_78 : i1
    %add3A_85 = arith.addi %rem3A_76, %select_n3A_75 : i32
    %select_n3A_86 = arith.select %and3A_84, %add3A_85, %rem3A_76 : i32
    %mul3A_87 = arith.constant 2048 : i32
    %mul3A_88 = arith.muli %select_n3A_86, %mul3A_87 : i32
    %add3A_89 = arith.constant 1024 : i32
    %add3A_90 = arith.addi %mul3A_88, %add3A_89 : i32
    "tpu.region"() ({
      %run_scoped3A = tpu.sem_alloc : memref<!tpu.dma_semaphore, #tpu.memory_space<semaphore_mem>>
      %dma_start3A_129 = tpu.memref_slice %arg3[%select_n3A, %add3A_90] : memref<16x4096xi32, #tpu.memory_space<hbm>> -> memref<1x512xi32, #tpu.memory_space<hbm>>
      %dma_start3A_130 = tpu.memref_squeeze %dma_start3A_129 : memref<1x512xi32, #tpu.memory_space<hbm>> -> memref<512xi32, #tpu.memory_space<hbm>>
      %dma_start3A_131 = tpu.memref_slice %arg3[%select_n3A, %add3A_90] : memref<16x4096xi32, #tpu.memory_space<hbm>> -> memref<1x512xi32, #tpu.memory_space<hbm>>
      %dma_start3A_132 = tpu.memref_squeeze %dma_start3A_131 : memref<1x512xi32, #tpu.memory_space<hbm>> -> memref<512xi32, #tpu.memory_space<hbm>>
      tpu.enqueue_dma source(%dma_start3A_132 : memref<512xi32, #tpu.memory_space<hbm>>) target(%arg5 : memref<512xi32, #tpu.memory_space<vmem>>) target_semaphore(%run_scoped3A : memref<!tpu.dma_semaphore, #tpu.memory_space<semaphore_mem>>)
      %dma_wait3A_133 = tpu.memref_slice %arg3[%select_n3A, %add3A_90] : memref<16x4096xi32, #tpu.memory_space<hbm>> -> memref<1x512xi32, #tpu.memory_space<hbm>>
      %dma_wait3A_134 = tpu.memref_squeeze %dma_wait3A_133 : memref<1x512xi32, #tpu.memory_space<hbm>> -> memref<512xi32, #tpu.memory_space<hbm>>
      %dma_wait3A_135 = tpu.memref_slice %arg3[%select_n3A, %add3A_90] : memref<16x4096xi32, #tpu.memory_space<hbm>> -> memref<1x512xi32, #tpu.memory_space<hbm>>
      %dma_wait3A_136 = tpu.memref_squeeze %dma_wait3A_135 : memref<1x512xi32, #tpu.memory_space<hbm>> -> memref<512xi32, #tpu.memory_space<hbm>>
      tpu.wait_dma2 semaphore(%run_scoped3A : memref<!tpu.dma_semaphore, #tpu.memory_space<semaphore_mem>>) src(%dma_wait3A_136 : memref<512xi32, #tpu.memory_space<hbm>>) dst(%arg5 : memref<512xi32, #tpu.memory_space<vmem>>)
      tpu.yield
    }) : () -> ()
    %dma_start3A_91 = arith.constant 0 : i32
    %dma_start3A_92 = arith.constant 0 : i32
    %dma_start3A_93 = tpu.memref_slice %arg2[%dma_start3A_91, %dma_start3A_92] : memref<3276800x128xf32, #tpu.memory_space<hbm>> -> memref<3276800x128xf32, #tpu.memory_space<hbm>>
    tpu.enqueue_indirect_dma source(%dma_start3A_93 : memref<3276800x128xf32, #tpu.memory_space<hbm>>) target(%arg6 : memref<512x128xf32, #tpu.memory_space<vmem>>) offsets(%arg5 : memref<512xi32, #tpu.memory_space<vmem>>) semaphore(%arg7 : memref<!tpu.dma_semaphore, #tpu.memory_space<semaphore_mem>>)
    %dma_wait3A_94 = arith.constant 0 : i32
    %dma_wait3A_95 = arith.constant 0 : i32
    %dma_wait3A_96 = tpu.memref_slice %arg2[%dma_wait3A_94, %dma_wait3A_95] : memref<3276800x128xf32, #tpu.memory_space<hbm>> -> memref<3276800x128xf32, #tpu.memory_space<hbm>>
    tpu.wait_indirect_dma semaphore(%arg7 : memref<!tpu.dma_semaphore, #tpu.memory_space<semaphore_mem>>) src(%dma_wait3A_96 : memref<3276800x128xf32, #tpu.memory_space<hbm>>) dst(%arg6 : memref<512x128xf32, #tpu.memory_space<vmem>>)
    %mul3A_97 = arith.constant 4096 : i32
    %mul3A_98 = arith.muli %select_n3A, %mul3A_97 : i32
    %add3A_99 = arith.addi %mul3A_98, %add3A_90 : i32
    "tpu.region"() ({
      %run_scoped3A = tpu.sem_alloc : memref<!tpu.dma_semaphore, #tpu.memory_space<semaphore_mem>>
      %dma_start3A_129 = arith.constant 0 : i32
      %dma_start3A_130 = tpu.memref_slice %arg4[%add3A_99, %dma_start3A_129] : memref<65536x128xf32, #tpu.memory_space<hbm>> -> memref<512x128xf32, #tpu.memory_space<hbm>>
      %dma_start3A_131 = arith.constant 0 : i32
      %dma_start3A_132 = tpu.memref_slice %arg4[%add3A_99, %dma_start3A_131] : memref<65536x128xf32, #tpu.memory_space<hbm>> -> memref<512x128xf32, #tpu.memory_space<hbm>>
      tpu.enqueue_dma source(%arg6 : memref<512x128xf32, #tpu.memory_space<vmem>>) target(%dma_start3A_132 : memref<512x128xf32, #tpu.memory_space<hbm>>) target_semaphore(%run_scoped3A : memref<!tpu.dma_semaphore, #tpu.memory_space<semaphore_mem>>)
      %dma_wait3A_133 = arith.constant 0 : i32
      %dma_wait3A_134 = tpu.memref_slice %arg4[%add3A_99, %dma_wait3A_133] : memref<65536x128xf32, #tpu.memory_space<hbm>> -> memref<512x128xf32, #tpu.memory_space<hbm>>
      %dma_wait3A_135 = arith.constant 0 : i32
      %dma_wait3A_136 = tpu.memref_slice %arg4[%add3A_99, %dma_wait3A_135] : memref<65536x128xf32, #tpu.memory_space<hbm>> -> memref<512x128xf32, #tpu.memory_space<hbm>>
      tpu.wait_dma2 semaphore(%run_scoped3A : memref<!tpu.dma_semaphore, #tpu.memory_space<semaphore_mem>>) src(%arg6 : memref<512x128xf32, #tpu.memory_space<vmem>>) dst(%dma_wait3A_136 : memref<512x128xf32, #tpu.memory_space<hbm>>)
      tpu.yield
    }) : () -> ()
    %jit3A_100 = arith.constant 2 : i32
    %eq3A_101 = arith.constant 0 : i32
    %eq3A_102 = arith.cmpi eq, %jit3A_100, %eq3A_101 : i32
    %jit3A_103 = arith.constant 1 : i32
    %select_n3A_104 = arith.select %eq3A_102, %jit3A_103, %jit3A_100 : i32
    %rem3A_105 = arith.remsi %add3A, %select_n3A_104 : i32
    %ne3A_106 = arith.constant 0 : i32
    %ne3A_107 = arith.cmpi ne, %rem3A_105, %ne3A_106 : i32
    %lt3A_108 = arith.constant 0 : i32
    %lt3A_109 = arith.cmpi slt, %rem3A_105, %lt3A_108 : i32
    %lt3A_110 = arith.constant 0 : i32
    %lt3A_111 = arith.cmpi slt, %select_n3A_104, %lt3A_110 : i32
    %ne3A_112 = arith.xori %lt3A_109, %lt3A_111 : i1
    %and3A_113 = arith.andi %ne3A_112, %ne3A_107 : i1
    %add3A_114 = arith.addi %rem3A_105, %select_n3A_104 : i32
    %select_n3A_115 = arith.select %and3A_113, %add3A_114, %rem3A_105 : i32
    %mul3A_116 = arith.constant 2048 : i32
    %mul3A_117 = arith.muli %select_n3A_115, %mul3A_116 : i32
    %add3A_118 = arith.constant 1536 : i32
    %add3A_119 = arith.addi %mul3A_117, %add3A_118 : i32
    "tpu.region"() ({
      %run_scoped3A = tpu.sem_alloc : memref<!tpu.dma_semaphore, #tpu.memory_space<semaphore_mem>>
      %dma_start3A_129 = tpu.memref_slice %arg3[%select_n3A, %add3A_119] : memref<16x4096xi32, #tpu.memory_space<hbm>> -> memref<1x512xi32, #tpu.memory_space<hbm>>
      %dma_start3A_130 = tpu.memref_squeeze %dma_start3A_129 : memref<1x512xi32, #tpu.memory_space<hbm>> -> memref<512xi32, #tpu.memory_space<hbm>>
      %dma_start3A_131 = tpu.memref_slice %arg3[%select_n3A, %add3A_119] : memref<16x4096xi32, #tpu.memory_space<hbm>> -> memref<1x512xi32, #tpu.memory_space<hbm>>
      %dma_start3A_132 = tpu.memref_squeeze %dma_start3A_131 : memref<1x512xi32, #tpu.memory_space<hbm>> -> memref<512xi32, #tpu.memory_space<hbm>>
      tpu.enqueue_dma source(%dma_start3A_132 : memref<512xi32, #tpu.memory_space<hbm>>) target(%arg5 : memref<512xi32, #tpu.memory_space<vmem>>) target_semaphore(%run_scoped3A : memref<!tpu.dma_semaphore, #tpu.memory_space<semaphore_mem>>)
      %dma_wait3A_133 = tpu.memref_slice %arg3[%select_n3A, %add3A_119] : memref<16x4096xi32, #tpu.memory_space<hbm>> -> memref<1x512xi32, #tpu.memory_space<hbm>>
      %dma_wait3A_134 = tpu.memref_squeeze %dma_wait3A_133 : memref<1x512xi32, #tpu.memory_space<hbm>> -> memref<512xi32, #tpu.memory_space<hbm>>
      %dma_wait3A_135 = tpu.memref_slice %arg3[%select_n3A, %add3A_119] : memref<16x4096xi32, #tpu.memory_space<hbm>> -> memref<1x512xi32, #tpu.memory_space<hbm>>
      %dma_wait3A_136 = tpu.memref_squeeze %dma_wait3A_135 : memref<1x512xi32, #tpu.memory_space<hbm>> -> memref<512xi32, #tpu.memory_space<hbm>>
      tpu.wait_dma2 semaphore(%run_scoped3A : memref<!tpu.dma_semaphore, #tpu.memory_space<semaphore_mem>>) src(%dma_wait3A_136 : memref<512xi32, #tpu.memory_space<hbm>>) dst(%arg5 : memref<512xi32, #tpu.memory_space<vmem>>)
      tpu.yield
    }) : () -> ()
    %dma_start3A_120 = arith.constant 0 : i32
    %dma_start3A_121 = arith.constant 0 : i32
    %dma_start3A_122 = tpu.memref_slice %arg2[%dma_start3A_120, %dma_start3A_121] : memref<3276800x128xf32, #tpu.memory_space<hbm>> -> memref<3276800x128xf32, #tpu.memory_space<hbm>>
    tpu.enqueue_indirect_dma source(%dma_start3A_122 : memref<3276800x128xf32, #tpu.memory_space<hbm>>) target(%arg6 : memref<512x128xf32, #tpu.memory_space<vmem>>) offsets(%arg5 : memref<512xi32, #tpu.memory_space<vmem>>) semaphore(%arg7 : memref<!tpu.dma_semaphore, #tpu.memory_space<semaphore_mem>>)
    %dma_wait3A_123 = arith.constant 0 : i32
    %dma_wait3A_124 = arith.constant 0 : i32
    %dma_wait3A_125 = tpu.memref_slice %arg2[%dma_wait3A_123, %dma_wait3A_124] : memref<3276800x128xf32, #tpu.memory_space<hbm>> -> memref<3276800x128xf32, #tpu.memory_space<hbm>>
    tpu.wait_indirect_dma semaphore(%arg7 : memref<!tpu.dma_semaphore, #tpu.memory_space<semaphore_mem>>) src(%dma_wait3A_125 : memref<3276800x128xf32, #tpu.memory_space<hbm>>) dst(%arg6 : memref<512x128xf32, #tpu.memory_space<vmem>>)
    %mul3A_126 = arith.constant 4096 : i32
    %mul3A_127 = arith.muli %select_n3A, %mul3A_126 : i32
    %add3A_128 = arith.addi %mul3A_127, %add3A_119 : i32
    "tpu.region"() ({
      %run_scoped3A = tpu.sem_alloc : memref<!tpu.dma_semaphore, #tpu.memory_space<semaphore_mem>>
      %dma_start3A_129 = arith.constant 0 : i32
      %dma_start3A_130 = tpu.memref_slice %arg4[%add3A_128, %dma_start3A_129] : memref<65536x128xf32, #tpu.memory_space<hbm>> -> memref<512x128xf32, #tpu.memory_space<hbm>>
      %dma_start3A_131 = arith.constant 0 : i32
      %dma_start3A_132 = tpu.memref_slice %arg4[%add3A_128, %dma_start3A_131] : memref<65536x128xf32, #tpu.memory_space<hbm>> -> memref<512x128xf32, #tpu.memory_space<hbm>>
      tpu.enqueue_dma source(%arg6 : memref<512x128xf32, #tpu.memory_space<vmem>>) target(%dma_start3A_132 : memref<512x128xf32, #tpu.memory_space<hbm>>) target_semaphore(%run_scoped3A : memref<!tpu.dma_semaphore, #tpu.memory_space<semaphore_mem>>)
      %dma_wait3A_133 = arith.constant 0 : i32
      %dma_wait3A_134 = tpu.memref_slice %arg4[%add3A_128, %dma_wait3A_133] : memref<65536x128xf32, #tpu.memory_space<hbm>> -> memref<512x128xf32, #tpu.memory_space<hbm>>
      %dma_wait3A_135 = arith.constant 0 : i32
      %dma_wait3A_136 = tpu.memref_slice %arg4[%add3A_128, %dma_wait3A_135] : memref<65536x128xf32, #tpu.memory_space<hbm>> -> memref<512x128xf32, #tpu.memory_space<hbm>>
      tpu.wait_dma2 semaphore(%run_scoped3A : memref<!tpu.dma_semaphore, #tpu.memory_space<semaphore_mem>>) src(%arg6 : memref<512x128xf32, #tpu.memory_space<vmem>>) dst(%dma_wait3A_136 : memref<512x128xf32, #tpu.memory_space<hbm>>)
      tpu.yield
    }) : () -> ()
    return
  }
}

module attributes {stable_mosaic.version = 14 : i64} {
  func.func @_k2_body(%arg0: i32, %arg1: memref<800x256xf32, #tpu.memory_space<vmem>>, %arg2: memref<16x256xi32, #tpu.memory_space<vmem>>) attributes {dimension_semantics = [#tpu.dimension_semantics<arbitrary>], iteration_bounds = array<i64: 16>, scalar_prefetch = 0 : i64, scratch_operands = 0 : i64, tpu.core_type = #tpu.core_type<tc>, window_params = [{transform_indices = @transform_0, window_bounds = array<i64: 800, 256>}, {transform_indices = @transform_1, window_bounds = array<i64: 16, 256>}]} {
    %get3A = arith.constant 0 : index
    %get3A_0 = arith.constant 0 : index
    %get3A_1 = vector.load %arg1[%get3A, %get3A_0] : memref<800x256xf32, #tpu.memory_space<vmem>>, vector<800x256xf32>
    %iota3A = tpu.iota {dimensions = array<i32: 0>} : vector<800x256xi32>
    %argmin3A = tpu.reduce_index %get3A_1 {axis = 0 : i32, kind = #tpu.reduction_kind<arg_min>} : vector<800x256xf32> -> vector<256xi32>
    %broadcast_in_dim3A = vector.shape_cast %argmin3A : vector<256xi32> to vector<1x256xi32>
    %eq3A = vector.broadcast %broadcast_in_dim3A : vector<1x256xi32> to vector<800x256xi32>
    %eq3A_2 = arith.cmpi eq, %iota3A, %eq3A : vector<800x256xi32>
    %jit3A = arith.constant 3.000000e+38 : f32
    %broadcast_in_dim3A_3 = vector.broadcast %jit3A : f32 to vector<800x256xf32>
    %select_n3A = arith.select %eq3A_2, %broadcast_in_dim3A_3, %get3A_1 : vector<800x256xi1>, vector<800x256xf32>
    %argmin3A_4 = tpu.reduce_index %select_n3A {axis = 0 : i32, kind = #tpu.reduction_kind<arg_min>} : vector<800x256xf32> -> vector<256xi32>
    %broadcast_in_dim3A_5 = vector.shape_cast %argmin3A_4 : vector<256xi32> to vector<1x256xi32>
    %eq3A_6 = vector.broadcast %broadcast_in_dim3A_5 : vector<1x256xi32> to vector<800x256xi32>
    %eq3A_7 = arith.cmpi eq, %iota3A, %eq3A_6 : vector<800x256xi32>
    %jit3A_8 = arith.constant 3.000000e+38 : f32
    %broadcast_in_dim3A_9 = vector.broadcast %jit3A_8 : f32 to vector<800x256xf32>
    %select_n3A_10 = arith.select %eq3A_7, %broadcast_in_dim3A_9, %select_n3A : vector<800x256xi1>, vector<800x256xf32>
    %argmin3A_11 = tpu.reduce_index %select_n3A_10 {axis = 0 : i32, kind = #tpu.reduction_kind<arg_min>} : vector<800x256xf32> -> vector<256xi32>
    %broadcast_in_dim3A_12 = vector.shape_cast %argmin3A_11 : vector<256xi32> to vector<1x256xi32>
    %eq3A_13 = vector.broadcast %broadcast_in_dim3A_12 : vector<1x256xi32> to vector<800x256xi32>
    %eq3A_14 = arith.cmpi eq, %iota3A, %eq3A_13 : vector<800x256xi32>
    %jit3A_15 = arith.constant 3.000000e+38 : f32
    %broadcast_in_dim3A_16 = vector.broadcast %jit3A_15 : f32 to vector<800x256xf32>
    %select_n3A_17 = arith.select %eq3A_14, %broadcast_in_dim3A_16, %select_n3A_10 : vector<800x256xi1>, vector<800x256xf32>
    %argmin3A_18 = tpu.reduce_index %select_n3A_17 {axis = 0 : i32, kind = #tpu.reduction_kind<arg_min>} : vector<800x256xf32> -> vector<256xi32>
    %broadcast_in_dim3A_19 = vector.shape_cast %argmin3A_18 : vector<256xi32> to vector<1x256xi32>
    %eq3A_20 = vector.broadcast %broadcast_in_dim3A_19 : vector<1x256xi32> to vector<800x256xi32>
    %eq3A_21 = arith.cmpi eq, %iota3A, %eq3A_20 : vector<800x256xi32>
    %jit3A_22 = arith.constant 3.000000e+38 : f32
    %broadcast_in_dim3A_23 = vector.broadcast %jit3A_22 : f32 to vector<800x256xf32>
    %select_n3A_24 = arith.select %eq3A_21, %broadcast_in_dim3A_23, %select_n3A_17 : vector<800x256xi1>, vector<800x256xf32>
    %argmin3A_25 = tpu.reduce_index %select_n3A_24 {axis = 0 : i32, kind = #tpu.reduction_kind<arg_min>} : vector<800x256xf32> -> vector<256xi32>
    %broadcast_in_dim3A_26 = vector.shape_cast %argmin3A_25 : vector<256xi32> to vector<1x256xi32>
    %eq3A_27 = vector.broadcast %broadcast_in_dim3A_26 : vector<1x256xi32> to vector<800x256xi32>
    %eq3A_28 = arith.cmpi eq, %iota3A, %eq3A_27 : vector<800x256xi32>
    %jit3A_29 = arith.constant 3.000000e+38 : f32
    %broadcast_in_dim3A_30 = vector.broadcast %jit3A_29 : f32 to vector<800x256xf32>
    %select_n3A_31 = arith.select %eq3A_28, %broadcast_in_dim3A_30, %select_n3A_24 : vector<800x256xi1>, vector<800x256xf32>
    %argmin3A_32 = tpu.reduce_index %select_n3A_31 {axis = 0 : i32, kind = #tpu.reduction_kind<arg_min>} : vector<800x256xf32> -> vector<256xi32>
    %broadcast_in_dim3A_33 = vector.shape_cast %argmin3A_32 : vector<256xi32> to vector<1x256xi32>
    %eq3A_34 = vector.broadcast %broadcast_in_dim3A_33 : vector<1x256xi32> to vector<800x256xi32>
    %eq3A_35 = arith.cmpi eq, %iota3A, %eq3A_34 : vector<800x256xi32>
    %jit3A_36 = arith.constant 3.000000e+38 : f32
    %broadcast_in_dim3A_37 = vector.broadcast %jit3A_36 : f32 to vector<800x256xf32>
    %select_n3A_38 = arith.select %eq3A_35, %broadcast_in_dim3A_37, %select_n3A_31 : vector<800x256xi1>, vector<800x256xf32>
    %argmin3A_39 = tpu.reduce_index %select_n3A_38 {axis = 0 : i32, kind = #tpu.reduction_kind<arg_min>} : vector<800x256xf32> -> vector<256xi32>
    %broadcast_in_dim3A_40 = vector.shape_cast %argmin3A_39 : vector<256xi32> to vector<1x256xi32>
    %eq3A_41 = vector.broadcast %broadcast_in_dim3A_40 : vector<1x256xi32> to vector<800x256xi32>
    %eq3A_42 = arith.cmpi eq, %iota3A, %eq3A_41 : vector<800x256xi32>
    %jit3A_43 = arith.constant 3.000000e+38 : f32
    %broadcast_in_dim3A_44 = vector.broadcast %jit3A_43 : f32 to vector<800x256xf32>
    %select_n3A_45 = arith.select %eq3A_42, %broadcast_in_dim3A_44, %select_n3A_38 : vector<800x256xi1>, vector<800x256xf32>
    %argmin3A_46 = tpu.reduce_index %select_n3A_45 {axis = 0 : i32, kind = #tpu.reduction_kind<arg_min>} : vector<800x256xf32> -> vector<256xi32>
    %broadcast_in_dim3A_47 = vector.shape_cast %argmin3A_46 : vector<256xi32> to vector<1x256xi32>
    %eq3A_48 = vector.broadcast %broadcast_in_dim3A_47 : vector<1x256xi32> to vector<800x256xi32>
    %eq3A_49 = arith.cmpi eq, %iota3A, %eq3A_48 : vector<800x256xi32>
    %jit3A_50 = arith.constant 3.000000e+38 : f32
    %broadcast_in_dim3A_51 = vector.broadcast %jit3A_50 : f32 to vector<800x256xf32>
    %select_n3A_52 = arith.select %eq3A_49, %broadcast_in_dim3A_51, %select_n3A_45 : vector<800x256xi1>, vector<800x256xf32>
    %argmin3A_53 = tpu.reduce_index %select_n3A_52 {axis = 0 : i32, kind = #tpu.reduction_kind<arg_min>} : vector<800x256xf32> -> vector<256xi32>
    %broadcast_in_dim3A_54 = vector.shape_cast %argmin3A_53 : vector<256xi32> to vector<1x256xi32>
    %eq3A_55 = vector.broadcast %broadcast_in_dim3A_54 : vector<1x256xi32> to vector<800x256xi32>
    %eq3A_56 = arith.cmpi eq, %iota3A, %eq3A_55 : vector<800x256xi32>
    %jit3A_57 = arith.constant 3.000000e+38 : f32
    %broadcast_in_dim3A_58 = vector.broadcast %jit3A_57 : f32 to vector<800x256xf32>
    %select_n3A_59 = arith.select %eq3A_56, %broadcast_in_dim3A_58, %select_n3A_52 : vector<800x256xi1>, vector<800x256xf32>
    %argmin3A_60 = tpu.reduce_index %select_n3A_59 {axis = 0 : i32, kind = #tpu.reduction_kind<arg_min>} : vector<800x256xf32> -> vector<256xi32>
    %broadcast_in_dim3A_61 = vector.shape_cast %argmin3A_60 : vector<256xi32> to vector<1x256xi32>
    %eq3A_62 = vector.broadcast %broadcast_in_dim3A_61 : vector<1x256xi32> to vector<800x256xi32>
    %eq3A_63 = arith.cmpi eq, %iota3A, %eq3A_62 : vector<800x256xi32>
    %jit3A_64 = arith.constant 3.000000e+38 : f32
    %broadcast_in_dim3A_65 = vector.broadcast %jit3A_64 : f32 to vector<800x256xf32>
    %select_n3A_66 = arith.select %eq3A_63, %broadcast_in_dim3A_65, %select_n3A_59 : vector<800x256xi1>, vector<800x256xf32>
    %argmin3A_67 = tpu.reduce_index %select_n3A_66 {axis = 0 : i32, kind = #tpu.reduction_kind<arg_min>} : vector<800x256xf32> -> vector<256xi32>
    %broadcast_in_dim3A_68 = vector.shape_cast %argmin3A_67 : vector<256xi32> to vector<1x256xi32>
    %eq3A_69 = vector.broadcast %broadcast_in_dim3A_68 : vector<1x256xi32> to vector<800x256xi32>
    %eq3A_70 = arith.cmpi eq, %iota3A, %eq3A_69 : vector<800x256xi32>
    %jit3A_71 = arith.constant 3.000000e+38 : f32
    %broadcast_in_dim3A_72 = vector.broadcast %jit3A_71 : f32 to vector<800x256xf32>
    %select_n3A_73 = arith.select %eq3A_70, %broadcast_in_dim3A_72, %select_n3A_66 : vector<800x256xi1>, vector<800x256xf32>
    %argmin3A_74 = tpu.reduce_index %select_n3A_73 {axis = 0 : i32, kind = #tpu.reduction_kind<arg_min>} : vector<800x256xf32> -> vector<256xi32>
    %broadcast_in_dim3A_75 = arith.constant 799 : i32
    %broadcast_in_dim3A_76 = vector.broadcast %broadcast_in_dim3A_75 : i32 to vector<256xi32>
    %broadcast_in_dim3A_77 = arith.constant 799 : i32
    %broadcast_in_dim3A_78 = vector.broadcast %broadcast_in_dim3A_77 : i32 to vector<256xi32>
    %broadcast_in_dim3A_79 = arith.constant 799 : i32
    %broadcast_in_dim3A_80 = vector.broadcast %broadcast_in_dim3A_79 : i32 to vector<256xi32>
    %broadcast_in_dim3A_81 = arith.constant 799 : i32
    %broadcast_in_dim3A_82 = vector.broadcast %broadcast_in_dim3A_81 : i32 to vector<256xi32>
    %stack3A = vector.shape_cast %argmin3A : vector<256xi32> to vector<1x256xi32>
    %stack3A_83 = vector.shape_cast %argmin3A_4 : vector<256xi32> to vector<1x256xi32>
    %stack3A_84 = vector.shape_cast %argmin3A_11 : vector<256xi32> to vector<1x256xi32>
    %stack3A_85 = vector.shape_cast %argmin3A_18 : vector<256xi32> to vector<1x256xi32>
    %stack3A_86 = vector.shape_cast %argmin3A_25 : vector<256xi32> to vector<1x256xi32>
    %stack3A_87 = vector.shape_cast %argmin3A_32 : vector<256xi32> to vector<1x256xi32>
    %stack3A_88 = vector.shape_cast %argmin3A_39 : vector<256xi32> to vector<1x256xi32>
    %stack3A_89 = vector.shape_cast %argmin3A_46 : vector<256xi32> to vector<1x256xi32>
    %stack3A_90 = vector.shape_cast %argmin3A_53 : vector<256xi32> to vector<1x256xi32>
    %stack3A_91 = vector.shape_cast %argmin3A_60 : vector<256xi32> to vector<1x256xi32>
    %stack3A_92 = vector.shape_cast %argmin3A_67 : vector<256xi32> to vector<1x256xi32>
    %stack3A_93 = vector.shape_cast %argmin3A_74 : vector<256xi32> to vector<1x256xi32>
    %stack3A_94 = vector.shape_cast %broadcast_in_dim3A_76 : vector<256xi32> to vector<1x256xi32>
    %stack3A_95 = vector.shape_cast %broadcast_in_dim3A_78 : vector<256xi32> to vector<1x256xi32>
    %stack3A_96 = vector.shape_cast %broadcast_in_dim3A_80 : vector<256xi32> to vector<1x256xi32>
    %stack3A_97 = vector.shape_cast %broadcast_in_dim3A_82 : vector<256xi32> to vector<1x256xi32>
    %stack3A_98 = tpu.concatenate %stack3A, %stack3A_83, %stack3A_84, %stack3A_85, %stack3A_86, %stack3A_87, %stack3A_88, %stack3A_89, %stack3A_90, %stack3A_91, %stack3A_92, %stack3A_93, %stack3A_94, %stack3A_95, %stack3A_96, %stack3A_97 in 0 : vector<1x256xi32>, vector<1x256xi32>, vector<1x256xi32>, vector<1x256xi32>, vector<1x256xi32>, vector<1x256xi32>, vector<1x256xi32>, vector<1x256xi32>, vector<1x256xi32>, vector<1x256xi32>, vector<1x256xi32>, vector<1x256xi32>, vector<1x256xi32>, vector<1x256xi32>, vector<1x256xi32>, vector<1x256xi32> -> vector<16x256xi32>
    %iota3A_99 = tpu.iota {dimensions = array<i32: 1>} : vector<16x256xi32>
    %mul3A = arith.constant 256 : i32
    %mul3A_100 = arith.muli %arg0, %mul3A : i32
    %add3A = vector.broadcast %mul3A_100 : i32 to vector<16x256xi32>
    %add3A_101 = arith.addi %iota3A_99, %add3A : vector<16x256xi32>
    %mul3A_102 = arith.constant 4096 : i32
    %mul3A_103 = vector.broadcast %mul3A_102 : i32 to vector<16x256xi32>
    %mul3A_104 = arith.muli %stack3A_98, %mul3A_103 : vector<16x256xi32>
    %add3A_105 = arith.addi %mul3A_104, %add3A_101 : vector<16x256xi32>
    %swap3A = arith.constant 0 : index
    %swap3A_106 = arith.constant 0 : index
    %swap3A_107 = vector.load %arg2[%swap3A, %swap3A_106] : memref<16x256xi32, #tpu.memory_space<vmem>>, vector<16x256xi32>
    tpu.vector_store %arg2[%swap3A, %swap3A_106], %add3A_105 {strides = array<i32>} : memref<16x256xi32, #tpu.memory_space<vmem>>, vector<16x256xi32>,
    return
  }
  func.func @transform_0(%arg0: i32) -> (i32, i32) {
    %c0_i32 = arith.constant 0 : i32
    %c0_i32_0 = arith.constant 0 : i32
    return %c0_i32, %arg0 : i32, i32
  }
  func.func @transform_1(%arg0: i32) -> (i32, i32) {
    %c0_i32 = arith.constant 0 : i32
    %c0_i32_0 = arith.constant 0 : i32
    return %c0_i32, %arg0 : i32, i32
  }
}

module attributes {stable_mosaic.version = 14 : i64} {
  func.func @_k1_body(%arg0: i32, %arg1: i32, %arg2: memref<256x128xf32, #tpu.memory_space<vmem>>, %arg3: memref<128x4096xf32, #tpu.memory_space<vmem>>, %arg4: memref<4096xf32, #tpu.memory_space<vmem>>, %arg5: memref<32x256x128xf32, #tpu.memory_space<vmem>>, %arg6: memref<32x256xf32, #tpu.memory_space<vmem>>) attributes {dimension_semantics = [#tpu.dimension_semantics<arbitrary>, #tpu.dimension_semantics<arbitrary>], iteration_bounds = array<i64: 25, 16>, scalar_prefetch = 0 : i64, scratch_operands = 0 : i64, tpu.core_type = #tpu.core_type<tc>, window_params = [{transform_indices = @transform_0, window_bounds = array<i64: 256, 128>}, {transform_indices = @transform_1, window_bounds = array<i64: 128, 4096>}, {transform_indices = @transform_2, window_bounds = array<i64: 4096>}, {transform_indices = @transform_3, window_bounds = array<i64: 32, 256, 128>}, {transform_indices = @transform_4, window_bounds = array<i64: 32, 256>}]} {
    %get3A = arith.constant 0 : index
    %get3A_0 = arith.constant 0 : index
    %get3A_1 = vector.load %arg2[%get3A, %get3A_0] : memref<256x128xf32, #tpu.memory_space<vmem>>, vector<256x128xf32>
    %get3A_2 = arith.constant 0 : index
    %get3A_3 = arith.constant 0 : index
    %get3A_4 = vector.load %arg3[%get3A_2, %get3A_3] : memref<128x4096xf32, #tpu.memory_space<vmem>>, vector<128x4096xf32>
    %dot_general3A = arith.constant dense<0.000000e+00> : vector<256x4096xf32>
    %dot_general3A_5 = tpu.matmul %get3A_1, %get3A_4, %dot_general3A {dimension_numbers = #tpu.dot_dimension_numbers<[1], [0], [0], [1], [0, 0, 1, 1], [], []>, transpose_lhs_hint = false} : vector<256x128xf32>, vector<128x4096xf32>, vector<256x4096xf32> -> vector<256x4096xf32>
    %mul3A = arith.mulf %get3A_4, %get3A_4 : vector<128x4096xf32>
    %reduce_sum3A = arith.constant dense<0.000000e+00> : vector<4096xf32>
    %reduce_sum3A_6 = vector.multi_reduction <add>, %mul3A, %reduce_sum3A [0] : vector<128x4096xf32> to vector<4096xf32>
    %mul3A_7 = arith.mulf %get3A_1, %get3A_1 : vector<256x128xf32>
    %reduce_sum3A_8 = arith.constant dense<0.000000e+00> : vector<256xf32>
    %reduce_sum3A_9 = vector.multi_reduction <add>, %mul3A_7, %reduce_sum3A_8 [1] : vector<256x128xf32> to vector<256xf32>
    %broadcast_in_dim3A = vector.shape_cast %reduce_sum3A_9 : vector<256xf32> to vector<256x1xf32>
    %broadcast_in_dim3A_10 = vector.shape_cast %reduce_sum3A_6 : vector<4096xf32> to vector<1x4096xf32>
    %add3A = vector.broadcast %broadcast_in_dim3A : vector<256x1xf32> to vector<256x4096xf32>
    %add3A_11 = vector.broadcast %broadcast_in_dim3A_10 : vector<1x4096xf32> to vector<256x4096xf32>
    %add3A_12 = arith.addf %add3A, %add3A_11 : vector<256x4096xf32>
    %mul3A_13 = arith.constant 2.000000e+00 : f32
    %mul3A_14 = vector.broadcast %mul3A_13 : f32 to vector<256x4096xf32>
    %mul3A_15 = arith.mulf %mul3A_14, %dot_general3A_5 : vector<256x4096xf32>
    %sub3A = arith.subf %add3A_12, %mul3A_15 : vector<256x4096xf32>
    %max3A = arith.constant 0.000000e+00 : f32
    %max3A_16 = vector.broadcast %max3A : f32 to vector<256x4096xf32>
    %max3A_17 = arith.maximumf %sub3A, %max3A_16 : vector<256x4096xf32>
    %get3A_18 = arith.constant 0 : index
    %get3A_19 = vector.load %arg4[%get3A_18] : memref<4096xf32, #tpu.memory_space<vmem>>, vector<4096xf32>
    %broadcast_in_dim3A_20 = vector.shape_cast %get3A_19 : vector<4096xf32> to vector<1x4096xf32>
    %add3A_21 = vector.broadcast %broadcast_in_dim3A_20 : vector<1x4096xf32> to vector<256x4096xf32>
    %add3A_22 = arith.addf %max3A_17, %add3A_21 : vector<256x4096xf32>
    %slice3A = vector.extract_strided_slice %add3A_22 {offsets = [0, 0], sizes = [256, 128], strides = [1, 1]} : vector<256x4096xf32> to vector<256x128xf32>
    %slice3A_23 = vector.extract_strided_slice %add3A_22 {offsets = [0, 128], sizes = [256, 128], strides = [1, 1]} : vector<256x4096xf32> to vector<256x128xf32>
    %slice3A_24 = vector.extract_strided_slice %add3A_22 {offsets = [0, 256], sizes = [256, 128], strides = [1, 1]} : vector<256x4096xf32> to vector<256x128xf32>
    %slice3A_25 = vector.extract_strided_slice %add3A_22 {offsets = [0, 384], sizes = [256, 128], strides = [1, 1]} : vector<256x4096xf32> to vector<256x128xf32>
    %slice3A_26 = vector.extract_strided_slice %add3A_22 {offsets = [0, 512], sizes = [256, 128], strides = [1, 1]} : vector<256x4096xf32> to vector<256x128xf32>
    %slice3A_27 = vector.extract_strided_slice %add3A_22 {offsets = [0, 640], sizes = [256, 128], strides = [1, 1]} : vector<256x4096xf32> to vector<256x128xf32>
    %slice3A_28 = vector.extract_strided_slice %add3A_22 {offsets = [0, 768], sizes = [256, 128], strides = [1, 1]} : vector<256x4096xf32> to vector<256x128xf32>
    %slice3A_29 = vector.extract_strided_slice %add3A_22 {offsets = [0, 896], sizes = [256, 128], strides = [1, 1]} : vector<256x4096xf32> to vector<256x128xf32>
    %slice3A_30 = vector.extract_strided_slice %add3A_22 {offsets = [0, 1024], sizes = [256, 128], strides = [1, 1]} : vector<256x4096xf32> to vector<256x128xf32>
    %slice3A_31 = vector.extract_strided_slice %add3A_22 {offsets = [0, 1152], sizes = [256, 128], strides = [1, 1]} : vector<256x4096xf32> to vector<256x128xf32>
    %slice3A_32 = vector.extract_strided_slice %add3A_22 {offsets = [0, 1280], sizes = [256, 128], strides = [1, 1]} : vector<256x4096xf32> to vector<256x128xf32>
    %slice3A_33 = vector.extract_strided_slice %add3A_22 {offsets = [0, 1408], sizes = [256, 128], strides = [1, 1]} : vector<256x4096xf32> to vector<256x128xf32>
    %slice3A_34 = vector.extract_strided_slice %add3A_22 {offsets = [0, 1536], sizes = [256, 128], strides = [1, 1]} : vector<256x4096xf32> to vector<256x128xf32>
    %slice3A_35 = vector.extract_strided_slice %add3A_22 {offsets = [0, 1664], sizes = [256, 128], strides = [1, 1]} : vector<256x4096xf32> to vector<256x128xf32>
    %slice3A_36 = vector.extract_strided_slice %add3A_22 {offsets = [0, 1792], sizes = [256, 128], strides = [1, 1]} : vector<256x4096xf32> to vector<256x128xf32>
    %slice3A_37 = vector.extract_strided_slice %add3A_22 {offsets = [0, 1920], sizes = [256, 128], strides = [1, 1]} : vector<256x4096xf32> to vector<256x128xf32>
    %slice3A_38 = vector.extract_strided_slice %add3A_22 {offsets = [0, 2048], sizes = [256, 128], strides = [1, 1]} : vector<256x4096xf32> to vector<256x128xf32>
    %slice3A_39 = vector.extract_strided_slice %add3A_22 {offsets = [0, 2176], sizes = [256, 128], strides = [1, 1]} : vector<256x4096xf32> to vector<256x128xf32>
    %slice3A_40 = vector.extract_strided_slice %add3A_22 {offsets = [0, 2304], sizes = [256, 128], strides = [1, 1]} : vector<256x4096xf32> to vector<256x128xf32>
    %slice3A_41 = vector.extract_strided_slice %add3A_22 {offsets = [0, 2432], sizes = [256, 128], strides = [1, 1]} : vector<256x4096xf32> to vector<256x128xf32>
    %slice3A_42 = vector.extract_strided_slice %add3A_22 {offsets = [0, 2560], sizes = [256, 128], strides = [1, 1]} : vector<256x4096xf32> to vector<256x128xf32>
    %slice3A_43 = vector.extract_strided_slice %add3A_22 {offsets = [0, 2688], sizes = [256, 128], strides = [1, 1]} : vector<256x4096xf32> to vector<256x128xf32>
    %slice3A_44 = vector.extract_strided_slice %add3A_22 {offsets = [0, 2816], sizes = [256, 128], strides = [1, 1]} : vector<256x4096xf32> to vector<256x128xf32>
    %slice3A_45 = vector.extract_strided_slice %add3A_22 {offsets = [0, 2944], sizes = [256, 128], strides = [1, 1]} : vector<256x4096xf32> to vector<256x128xf32>
    %slice3A_46 = vector.extract_strided_slice %add3A_22 {offsets = [0, 3072], sizes = [256, 128], strides = [1, 1]} : vector<256x4096xf32> to vector<256x128xf32>
    %slice3A_47 = vector.extract_strided_slice %add3A_22 {offsets = [0, 3200], sizes = [256, 128], strides = [1, 1]} : vector<256x4096xf32> to vector<256x128xf32>
    %slice3A_48 = vector.extract_strided_slice %add3A_22 {offsets = [0, 3328], sizes = [256, 128], strides = [1, 1]} : vector<256x4096xf32> to vector<256x128xf32>
    %slice3A_49 = vector.extract_strided_slice %add3A_22 {offsets = [0, 3456], sizes = [256, 128], strides = [1, 1]} : vector<256x4096xf32> to vector<256x128xf32>
    %slice3A_50 = vector.extract_strided_slice %add3A_22 {offsets = [0, 3584], sizes = [256, 128], strides = [1, 1]} : vector<256x4096xf32> to vector<256x128xf32>
    %slice3A_51 = vector.extract_strided_slice %add3A_22 {offsets = [0, 3712], sizes = [256, 128], strides = [1, 1]} : vector<256x4096xf32> to vector<256x128xf32>
    %slice3A_52 = vector.extract_strided_slice %add3A_22 {offsets = [0, 3840], sizes = [256, 128], strides = [1, 1]} : vector<256x4096xf32> to vector<256x128xf32>
    %slice3A_53 = vector.extract_strided_slice %add3A_22 {offsets = [0, 3968], sizes = [256, 128], strides = [1, 1]} : vector<256x4096xf32> to vector<256x128xf32>
    %stack3A = vector.shape_cast %slice3A : vector<256x128xf32> to vector<1x256x128xf32>
    %stack3A_54 = vector.shape_cast %slice3A_23 : vector<256x128xf32> to vector<1x256x128xf32>
    %stack3A_55 = vector.shape_cast %slice3A_24 : vector<256x128xf32> to vector<1x256x128xf32>
    %stack3A_56 = vector.shape_cast %slice3A_25 : vector<256x128xf32> to vector<1x256x128xf32>
    %stack3A_57 = vector.shape_cast %slice3A_26 : vector<256x128xf32> to vector<1x256x128xf32>
    %stack3A_58 = vector.shape_cast %slice3A_27 : vector<256x128xf32> to vector<1x256x128xf32>
    %stack3A_59 = vector.shape_cast %slice3A_28 : vector<256x128xf32> to vector<1x256x128xf32>
    %stack3A_60 = vector.shape_cast %slice3A_29 : vector<256x128xf32> to vector<1x256x128xf32>
    %stack3A_61 = vector.shape_cast %slice3A_30 : vector<256x128xf32> to vector<1x256x128xf32>
    %stack3A_62 = vector.shape_cast %slice3A_31 : vector<256x128xf32> to vector<1x256x128xf32>
    %stack3A_63 = vector.shape_cast %slice3A_32 : vector<256x128xf32> to vector<1x256x128xf32>
    %stack3A_64 = vector.shape_cast %slice3A_33 : vector<256x128xf32> to vector<1x256x128xf32>
    %stack3A_65 = vector.shape_cast %slice3A_34 : vector<256x128xf32> to vector<1x256x128xf32>
    %stack3A_66 = vector.shape_cast %slice3A_35 : vector<256x128xf32> to vector<1x256x128xf32>
    %stack3A_67 = vector.shape_cast %slice3A_36 : vector<256x128xf32> to vector<1x256x128xf32>
    %stack3A_68 = vector.shape_cast %slice3A_37 : vector<256x128xf32> to vector<1x256x128xf32>
    %stack3A_69 = vector.shape_cast %slice3A_38 : vector<256x128xf32> to vector<1x256x128xf32>
    %stack3A_70 = vector.shape_cast %slice3A_39 : vector<256x128xf32> to vector<1x256x128xf32>
    %stack3A_71 = vector.shape_cast %slice3A_40 : vector<256x128xf32> to vector<1x256x128xf32>
    %stack3A_72 = vector.shape_cast %slice3A_41 : vector<256x128xf32> to vector<1x256x128xf32>
    %stack3A_73 = vector.shape_cast %slice3A_42 : vector<256x128xf32> to vector<1x256x128xf32>
    %stack3A_74 = vector.shape_cast %slice3A_43 : vector<256x128xf32> to vector<1x256x128xf32>
    %stack3A_75 = vector.shape_cast %slice3A_44 : vector<256x128xf32> to vector<1x256x128xf32>
    %stack3A_76 = vector.shape_cast %slice3A_45 : vector<256x128xf32> to vector<1x256x128xf32>
    %stack3A_77 = vector.shape_cast %slice3A_46 : vector<256x128xf32> to vector<1x256x128xf32>
    %stack3A_78 = vector.shape_cast %slice3A_47 : vector<256x128xf32> to vector<1x256x128xf32>
    %stack3A_79 = vector.shape_cast %slice3A_48 : vector<256x128xf32> to vector<1x256x128xf32>
    %stack3A_80 = vector.shape_cast %slice3A_49 : vector<256x128xf32> to vector<1x256x128xf32>
    %stack3A_81 = vector.shape_cast %slice3A_50 : vector<256x128xf32> to vector<1x256x128xf32>
    %stack3A_82 = vector.shape_cast %slice3A_51 : vector<256x128xf32> to vector<1x256x128xf32>
    %stack3A_83 = vector.shape_cast %slice3A_52 : vector<256x128xf32> to vector<1x256x128xf32>
    %stack3A_84 = vector.shape_cast %slice3A_53 : vector<256x128xf32> to vector<1x256x128xf32>
    %stack3A_85 = tpu.concatenate %stack3A, %stack3A_54, %stack3A_55, %stack3A_56, %stack3A_57, %stack3A_58, %stack3A_59, %stack3A_60, %stack3A_61, %stack3A_62, %stack3A_63, %stack3A_64, %stack3A_65, %stack3A_66, %stack3A_67, %stack3A_68, %stack3A_69, %stack3A_70, %stack3A_71, %stack3A_72, %stack3A_73, %stack3A_74, %stack3A_75, %stack3A_76, %stack3A_77, %stack3A_78, %stack3A_79, %stack3A_80, %stack3A_81, %stack3A_82, %stack3A_83, %stack3A_84 in 0 : vector<1x256x128xf32>, vector<1x256x128xf32>, vector<1x256x128xf32>, vector<1x256x128xf32>, vector<1x256x128xf32>, vector<1x256x128xf32>, vector<1x256x128xf32>, vector<1x256x128xf32>, vector<1x256x128xf32>, vector<1x256x128xf32>, vector<1x256x128xf32>, vector<1x256x128xf32>, vector<1x256x128xf32>, vector<1x256x128xf32>, vector<1x256x128xf32>, vector<1x256x128xf32>, vector<1x256x128xf32>, vector<1x256x128xf32>, vector<1x256x128xf32>, vector<1x256x128xf32>, vector<1x256x128xf32>, vector<1x256x128xf32>, vector<1x256x128xf32>, vector<1x256x128xf32>, vector<1x256x128xf32>, vector<1x256x128xf32>, vector<1x256x128xf32>, vector<1x256x128xf32>, vector<1x256x128xf32>, vector<1x256x128xf32>, vector<1x256x128xf32>, vector<1x256x128xf32> -> vector<32x256x128xf32>
    %swap3A = arith.constant 0 : index
    %swap3A_86 = arith.constant 0 : index
    %swap3A_87 = arith.constant 0 : index
    %swap3A_88 = vector.load %arg5[%swap3A, %swap3A_86, %swap3A_87] : memref<32x256x128xf32, #tpu.memory_space<vmem>>, vector<32x256x128xf32>
    tpu.vector_store %arg5[%swap3A, %swap3A_86, %swap3A_87], %stack3A_85 {strides = array<i32>} : memref<32x256x128xf32, #tpu.memory_space<vmem>>, vector<32x256x128xf32>,
    %reshape3A = vector.shape_cast %add3A_22 : vector<256x4096xf32> to vector<256x32x128xf32>
    %reduce_min3A = arith.constant dense<0x7F800000> : vector<256x32xf32>
    %reduce_min3A_89 = vector.multi_reduction <minimumf>, %reshape3A, %reduce_min3A [2] : vector<256x32x128xf32> to vector<256x32xf32>
    %transpose3A = tpu.transpose %reduce_min3A_89, [1, 0] : vector<256x32xf32> -> vector<32x256xf32>
    %swap3A_90 = arith.constant 0 : index
    %swap3A_91 = arith.constant 0 : index
    %swap3A_92 = vector.load %arg6[%swap3A_90, %swap3A_91] : memref<32x256xf32, #tpu.memory_space<vmem>>, vector<32x256xf32>
    tpu.vector_store %arg6[%swap3A_90, %swap3A_91], %transpose3A {strides = array<i32>} : memref<32x256xf32, #tpu.memory_space<vmem>>, vector<32x256xf32>,
    return
  }
  func.func @transform_0(%arg0: i32, %arg1: i32) -> (i32, i32) {
    %c0_i32 = arith.constant 0 : i32
    %c0_i32_0 = arith.constant 0 : i32
    return %arg1, %c0_i32 : i32, i32
  }
  func.func @transform_1(%arg0: i32, %arg1: i32) -> (i32, i32) {
    %c0_i32 = arith.constant 0 : i32
    %c0_i32_0 = arith.constant 0 : i32
    return %c0_i32, %arg0 : i32, i32
  }
  func.func @transform_2(%arg0: i32, %arg1: i32) -> i32 {
    %c0_i32 = arith.constant 0 : i32
    return %arg0 : i32
  }
  func.func @transform_3(%arg0: i32, %arg1: i32) -> (i32, i32, i32) {
    %c0_i32 = arith.constant 0 : i32
    %c0_i32_0 = arith.constant 0 : i32
    return %arg0, %arg1, %c0_i32 : i32, i32, i32
  }
  func.func @transform_4(%arg0: i32, %arg1: i32) -> (i32, i32) {
    %c0_i32 = arith.constant 0 : i32
    return %arg0, %arg1 : i32, i32
  }
}

module attributes {stable_mosaic.version = 14 : i64} {
  func.func @_k4_body(%arg0: i32, %arg1: memref<16x256x128xf32, #tpu.memory_space<vmem>>, %arg2: memref<16x256xi32, #tpu.memory_space<vmem>>, %arg3: memref<800x128xf32, #tpu.memory_space<vmem>>, %arg4: memref<256xi32, #tpu.memory_space<vmem>>) attributes {dimension_semantics = [#tpu.dimension_semantics<arbitrary>], iteration_bounds = array<i64: 16>, scalar_prefetch = 0 : i64, scratch_operands = 0 : i64, tpu.core_type = #tpu.core_type<tc>, window_params = [{transform_indices = @transform_0, window_bounds = array<i64: 16, 256, 128>}, {transform_indices = @transform_1, window_bounds = array<i64: 16, 256>}, {pipeline_mode = #tpu.pipeline_mode<synchronous>, transform_indices = @transform_2, window_bounds = array<i64: 800, 128>}, {transform_indices = @transform_3, window_bounds = array<i64: 256>}]} {
    %get3A = arith.constant 0 : index
    %get3A_0 = arith.constant 0 : index
    %get3A_1 = arith.constant 0 : index
    %get3A_2 = vector.load %arg1[%get3A, %get3A_0, %get3A_1] : memref<16x256x128xf32, #tpu.memory_space<vmem>>, vector<16x256x128xf32>
    %get3A_3 = arith.constant 0 : index
    %get3A_4 = arith.constant 0 : index
    %get3A_5 = vector.load %arg2[%get3A_3, %get3A_4] : memref<16x256xi32, #tpu.memory_space<vmem>>, vector<16x256xi32>
    %jit3A = arith.constant 4096 : i32
    %div3A = vector.broadcast %jit3A : i32 to vector<16x256xi32>
    %div3A_6 = arith.divsi %get3A_5, %div3A : vector<16x256xi32>
    %sign3A = arith.constant 0 : i32
    %sign3A_7 = vector.broadcast %sign3A : i32 to vector<16x256xi32>
    %sign3A_8 = arith.cmpi sgt, %get3A_5, %sign3A_7 : vector<16x256xi32>
    %sign3A_9 = arith.extui %sign3A_8 : vector<16x256xi1> to vector<16x256xi32>
    %sign3A_10 = arith.constant 0 : i32
    %sign3A_11 = vector.broadcast %sign3A_10 : i32 to vector<16x256xi32>
    %sign3A_12 = arith.cmpi slt, %get3A_5, %sign3A_11 : vector<16x256xi32>
    %sign3A_13 = arith.extui %sign3A_12 : vector<16x256xi1> to vector<16x256xi32>
    %sign3A_14 = arith.subi %sign3A_9, %sign3A_13 : vector<16x256xi32>
    %sign3A_15 = arith.constant 0 : i32
    %sign3A_16 = arith.cmpi sgt, %jit3A, %sign3A_15 : i32
    %sign3A_17 = arith.extui %sign3A_16 : i1 to i32
    %sign3A_18 = arith.constant 0 : i32
    %sign3A_19 = arith.cmpi slt, %jit3A, %sign3A_18 : i32
    %sign3A_20 = arith.extui %sign3A_19 : i1 to i32
    %sign3A_21 = arith.subi %sign3A_17, %sign3A_20 : i32
    %ne3A = vector.broadcast %sign3A_21 : i32 to vector<16x256xi32>
    %ne3A_22 = arith.cmpi ne, %sign3A_14, %ne3A : vector<16x256xi32>
    %rem3A = vector.broadcast %jit3A : i32 to vector<16x256xi32>
    %rem3A_23 = arith.remsi %get3A_5, %rem3A : vector<16x256xi32>
    %ne3A_24 = arith.constant 0 : i32
    %ne3A_25 = vector.broadcast %ne3A_24 : i32 to vector<16x256xi32>
    %ne3A_26 = arith.cmpi ne, %rem3A_23, %ne3A_25 : vector<16x256xi32>
    %and3A = arith.andi %ne3A_22, %ne3A_26 : vector<16x256xi1>
    %sub3A = arith.constant 1 : i32
    %sub3A_27 = vector.broadcast %sub3A : i32 to vector<16x256xi32>
    %sub3A_28 = arith.subi %div3A_6, %sub3A_27 : vector<16x256xi32>
    %select_n3A = arith.select %and3A, %sub3A_28, %div3A_6 : vector<16x256xi1>, vector<16x256xi32>
    %iota3A = tpu.iota {dimensions = array<i32: 2>} : vector<16x256x128xi32>
    %broadcast_in_dim3A = vector.shape_cast %select_n3A : vector<16x256xi32> to vector<16x256x1xi32>
    %mul3A = arith.constant 128 : i32
    %mul3A_29 = vector.broadcast %mul3A : i32 to vector<16x256x1xi32>
    %mul3A_30 = arith.muli %broadcast_in_dim3A, %mul3A_29 : vector<16x256x1xi32>
    %add3A = vector.broadcast %mul3A_30 : vector<16x256x1xi32> to vector<16x256x128xi32>
    %add3A_31 = arith.addi %add3A, %iota3A : vector<16x256x128xi32>
    %reduce_min3A = arith.constant dense<0x7F800000> : vector<256x128xf32>
    %reduce_min3A_32 = vector.multi_reduction <minimumf>, %get3A_2, %reduce_min3A [0] : vector<16x256x128xf32> to vector<256x128xf32>
    %reduce_min3A_33 = arith.constant dense<0x7F800000> : vector<256xf32>
    %reduce_min3A_34 = vector.multi_reduction <minimumf>, %reduce_min3A_32, %reduce_min3A_33 [1] : vector<256x128xf32> to vector<256xf32>
    %broadcast_in_dim3A_35 = vector.shape_cast %reduce_min3A_34 : vector<256xf32> to vector<1x256x1xf32>
    %eq3A = vector.broadcast %broadcast_in_dim3A_35 : vector<1x256x1xf32> to vector<16x256x128xf32>
    %eq3A_36 = arith.cmpf oeq, %get3A_2, %eq3A : vector<16x256x128xf32>
    %jit3A_37 = arith.constant 1073741824 : i32
    %broadcast_in_dim3A_38 = vector.broadcast %jit3A_37 : i32 to vector<16x256x128xi32>
    %select_n3A_39 = arith.select %eq3A_36, %add3A_31, %broadcast_in_dim3A_38 : vector<16x256x128xi1>, vector<16x256x128xi32>
    %reduce_min3A_40 = arith.constant dense<2147483647> : vector<256x128xi32>
    %reduce_min3A_41 = vector.multi_reduction <minsi>, %select_n3A_39, %reduce_min3A_40 [0] : vector<16x256x128xi32> to vector<256x128xi32>
    %reduce_min3A_42 = arith.constant dense<2147483647> : vector<256xi32>
    %reduce_min3A_43 = vector.multi_reduction <minsi>, %reduce_min3A_41, %reduce_min3A_42 [1] : vector<256x128xi32> to vector<256xi32>
    %broadcast_in_dim3A_44 = vector.shape_cast %reduce_min3A_43 : vector<256xi32> to vector<1x256x1xi32>
    %eq3A_45 = vector.broadcast %broadcast_in_dim3A_44 : vector<1x256x1xi32> to vector<16x256x128xi32>
    %eq3A_46 = arith.cmpi eq, %add3A_31, %eq3A_45 : vector<16x256x128xi32>
    %and3A_47 = arith.andi %eq3A_36, %eq3A_46 : vector<16x256x128xi1>
    %jit3A_48 = arith.constant 3.000000e+38 : f32
    %broadcast_in_dim3A_49 = vector.broadcast %jit3A_48 : f32 to vector<16x256x128xf32>
    %select_n3A_50 = arith.select %and3A_47, %broadcast_in_dim3A_49, %get3A_2 : vector<16x256x128xi1>, vector<16x256x128xf32>
    %reduce_min3A_51 = arith.constant dense<0x7F800000> : vector<256x128xf32>
    %reduce_min3A_52 = vector.multi_reduction <minimumf>, %select_n3A_50, %reduce_min3A_51 [0] : vector<16x256x128xf32> to vector<256x128xf32>
    %reduce_min3A_53 = arith.constant dense<0x7F800000> : vector<256xf32>
    %reduce_min3A_54 = vector.multi_reduction <minimumf>, %reduce_min3A_52, %reduce_min3A_53 [1] : vector<256x128xf32> to vector<256xf32>
    %broadcast_in_dim3A_55 = vector.shape_cast %reduce_min3A_54 : vector<256xf32> to vector<1x256x1xf32>
    %eq3A_56 = vector.broadcast %broadcast_in_dim3A_55 : vector<1x256x1xf32> to vector<16x256x128xf32>
    %eq3A_57 = arith.cmpf oeq, %select_n3A_50, %eq3A_56 : vector<16x256x128xf32>
    %jit3A_58 = arith.constant 1073741824 : i32
    %broadcast_in_dim3A_59 = vector.broadcast %jit3A_58 : i32 to vector<16x256x128xi32>
    %select_n3A_60 = arith.select %eq3A_57, %add3A_31, %broadcast_in_dim3A_59 : vector<16x256x128xi1>, vector<16x256x128xi32>
    %reduce_min3A_61 = arith.constant dense<2147483647> : vector<256x128xi32>
    %reduce_min3A_62 = vector.multi_reduction <minsi>, %select_n3A_60, %reduce_min3A_61 [0] : vector<16x256x128xi32> to vector<256x128xi32>
    %reduce_min3A_63 = arith.constant dense<2147483647> : vector<256xi32>
    %reduce_min3A_64 = vector.multi_reduction <minsi>, %reduce_min3A_62, %reduce_min3A_63 [1] : vector<256x128xi32> to vector<256xi32>
    %broadcast_in_dim3A_65 = vector.shape_cast %reduce_min3A_64 : vector<256xi32> to vector<1x256x1xi32>
    %eq3A_66 = vector.broadcast %broadcast_in_dim3A_65 : vector<1x256x1xi32> to vector<16x256x128xi32>
    %eq3A_67 = arith.cmpi eq, %add3A_31, %eq3A_66 : vector<16x256x128xi32>
    %and3A_68 = arith.andi %eq3A_57, %eq3A_67 : vector<16x256x128xi1>
    %jit3A_69 = arith.constant 3.000000e+38 : f32
    %broadcast_in_dim3A_70 = vector.broadcast %jit3A_69 : f32 to vector<16x256x128xf32>
    %select_n3A_71 = arith.select %and3A_68, %broadcast_in_dim3A_70, %select_n3A_50 : vector<16x256x128xi1>, vector<16x256x128xf32>
    %reduce_min3A_72 = arith.constant dense<0x7F800000> : vector<256x128xf32>
    %reduce_min3A_73 = vector.multi_reduction <minimumf>, %select_n3A_71, %reduce_min3A_72 [0] : vector<16x256x128xf32> to vector<256x128xf32>
    %reduce_min3A_74 = arith.constant dense<0x7F800000> : vector<256xf32>
    %reduce_min3A_75 = vector.multi_reduction <minimumf>, %reduce_min3A_73, %reduce_min3A_74 [1] : vector<256x128xf32> to vector<256xf32>
    %broadcast_in_dim3A_76 = vector.shape_cast %reduce_min3A_75 : vector<256xf32> to vector<1x256x1xf32>
    %eq3A_77 = vector.broadcast %broadcast_in_dim3A_76 : vector<1x256x1xf32> to vector<16x256x128xf32>
    %eq3A_78 = arith.cmpf oeq, %select_n3A_71, %eq3A_77 : vector<16x256x128xf32>
    %jit3A_79 = arith.constant 1073741824 : i32
    %broadcast_in_dim3A_80 = vector.broadcast %jit3A_79 : i32 to vector<16x256x128xi32>
    %select_n3A_81 = arith.select %eq3A_78, %add3A_31, %broadcast_in_dim3A_80 : vector<16x256x128xi1>, vector<16x256x128xi32>
    %reduce_min3A_82 = arith.constant dense<2147483647> : vector<256x128xi32>
    %reduce_min3A_83 = vector.multi_reduction <minsi>, %select_n3A_81, %reduce_min3A_82 [0] : vector<16x256x128xi32> to vector<256x128xi32>
    %reduce_min3A_84 = arith.constant dense<2147483647> : vector<256xi32>
    %reduce_min3A_85 = vector.multi_reduction <minsi>, %reduce_min3A_83, %reduce_min3A_84 [1] : vector<256x128xi32> to vector<256xi32>
    %broadcast_in_dim3A_86 = vector.shape_cast %reduce_min3A_85 : vector<256xi32> to vector<1x256x1xi32>
    %eq3A_87 = vector.broadcast %broadcast_in_dim3A_86 : vector<1x256x1xi32> to vector<16x256x128xi32>
    %eq3A_88 = arith.cmpi eq, %add3A_31, %eq3A_87 : vector<16x256x128xi32>
    %and3A_89 = arith.andi %eq3A_78, %eq3A_88 : vector<16x256x128xi1>
    %jit3A_90 = arith.constant 3.000000e+38 : f32
    %broadcast_in_dim3A_91 = vector.broadcast %jit3A_90 : f32 to vector<16x256x128xf32>
    %select_n3A_92 = arith.select %and3A_89, %broadcast_in_dim3A_91, %select_n3A_71 : vector<16x256x128xi1>, vector<16x256x128xf32>
    %reduce_min3A_93 = arith.constant dense<0x7F800000> : vector<256x128xf32>
    %reduce_min3A_94 = vector.multi_reduction <minimumf>, %select_n3A_92, %reduce_min3A_93 [0] : vector<16x256x128xf32> to vector<256x128xf32>
    %reduce_min3A_95 = arith.constant dense<0x7F800000> : vector<256xf32>
    %reduce_min3A_96 = vector.multi_reduction <minimumf>, %reduce_min3A_94, %reduce_min3A_95 [1] : vector<256x128xf32> to vector<256xf32>
    %broadcast_in_dim3A_97 = vector.shape_cast %reduce_min3A_96 : vector<256xf32> to vector<1x256x1xf32>
    %eq3A_98 = vector.broadcast %broadcast_in_dim3A_97 : vector<1x256x1xf32> to vector<16x256x128xf32>
    %eq3A_99 = arith.cmpf oeq, %select_n3A_92, %eq3A_98 : vector<16x256x128xf32>
    %jit3A_100 = arith.constant 1073741824 : i32
    %broadcast_in_dim3A_101 = vector.broadcast %jit3A_100 : i32 to vector<16x256x128xi32>
    %select_n3A_102 = arith.select %eq3A_99, %add3A_31, %broadcast_in_dim3A_101 : vector<16x256x128xi1>, vector<16x256x128xi32>
    %reduce_min3A_103 = arith.constant dense<2147483647> : vector<256x128xi32>
    %reduce_min3A_104 = vector.multi_reduction <minsi>, %select_n3A_102, %reduce_min3A_103 [0] : vector<16x256x128xi32> to vector<256x128xi32>
    %reduce_min3A_105 = arith.constant dense<2147483647> : vector<256xi32>
    %reduce_min3A_106 = vector.multi_reduction <minsi>, %reduce_min3A_104, %reduce_min3A_105 [1] : vector<256x128xi32> to vector<256xi32>
    %broadcast_in_dim3A_107 = vector.shape_cast %reduce_min3A_106 : vector<256xi32> to vector<1x256x1xi32>
    %eq3A_108 = vector.broadcast %broadcast_in_dim3A_107 : vector<1x256x1xi32> to vector<16x256x128xi32>
    %eq3A_109 = arith.cmpi eq, %add3A_31, %eq3A_108 : vector<16x256x128xi32>
    %and3A_110 = arith.andi %eq3A_99, %eq3A_109 : vector<16x256x128xi1>
    %jit3A_111 = arith.constant 3.000000e+38 : f32
    %broadcast_in_dim3A_112 = vector.broadcast %jit3A_111 : f32 to vector<16x256x128xf32>
    %select_n3A_113 = arith.select %and3A_110, %broadcast_in_dim3A_112, %select_n3A_92 : vector<16x256x128xi1>, vector<16x256x128xf32>
    %reduce_min3A_114 = arith.constant dense<0x7F800000> : vector<256x128xf32>
    %reduce_min3A_115 = vector.multi_reduction <minimumf>, %select_n3A_113, %reduce_min3A_114 [0] : vector<16x256x128xf32> to vector<256x128xf32>
    %reduce_min3A_116 = arith.constant dense<0x7F800000> : vector<256xf32>
    %reduce_min3A_117 = vector.multi_reduction <minimumf>, %reduce_min3A_115, %reduce_min3A_116 [1] : vector<256x128xf32> to vector<256xf32>
    %broadcast_in_dim3A_118 = vector.shape_cast %reduce_min3A_117 : vector<256xf32> to vector<1x256x1xf32>
    %eq3A_119 = vector.broadcast %broadcast_in_dim3A_118 : vector<1x256x1xf32> to vector<16x256x128xf32>
    %eq3A_120 = arith.cmpf oeq, %select_n3A_113, %eq3A_119 : vector<16x256x128xf32>
    %jit3A_121 = arith.constant 1073741824 : i32
    %broadcast_in_dim3A_122 = vector.broadcast %jit3A_121 : i32 to vector<16x256x128xi32>
    %select_n3A_123 = arith.select %eq3A_120, %add3A_31, %broadcast_in_dim3A_122 : vector<16x256x128xi1>, vector<16x256x128xi32>
    %reduce_min3A_124 = arith.constant dense<2147483647> : vector<256x128xi32>
    %reduce_min3A_125 = vector.multi_reduction <minsi>, %select_n3A_123, %reduce_min3A_124 [0] : vector<16x256x128xi32> to vector<256x128xi32>
    %reduce_min3A_126 = arith.constant dense<2147483647> : vector<256xi32>
    %reduce_min3A_127 = vector.multi_reduction <minsi>, %reduce_min3A_125, %reduce_min3A_126 [1] : vector<256x128xi32> to vector<256xi32>
    %broadcast_in_dim3A_128 = vector.shape_cast %reduce_min3A_127 : vector<256xi32> to vector<1x256x1xi32>
    %eq3A_129 = vector.broadcast %broadcast_in_dim3A_128 : vector<1x256x1xi32> to vector<16x256x128xi32>
    %eq3A_130 = arith.cmpi eq, %add3A_31, %eq3A_129 : vector<16x256x128xi32>
    %and3A_131 = arith.andi %eq3A_120, %eq3A_130 : vector<16x256x128xi1>
    %jit3A_132 = arith.constant 3.000000e+38 : f32
    %broadcast_in_dim3A_133 = vector.broadcast %jit3A_132 : f32 to vector<16x256x128xf32>
    %select_n3A_134 = arith.select %and3A_131, %broadcast_in_dim3A_133, %select_n3A_113 : vector<16x256x128xi1>, vector<16x256x128xf32>
    %reduce_min3A_135 = arith.constant dense<0x7F800000> : vector<256x128xf32>
    %reduce_min3A_136 = vector.multi_reduction <minimumf>, %select_n3A_134, %reduce_min3A_135 [0] : vector<16x256x128xf32> to vector<256x128xf32>
    %reduce_min3A_137 = arith.constant dense<0x7F800000> : vector<256xf32>
    %reduce_min3A_138 = vector.multi_reduction <minimumf>, %reduce_min3A_136, %reduce_min3A_137 [1] : vector<256x128xf32> to vector<256xf32>
    %broadcast_in_dim3A_139 = vector.shape_cast %reduce_min3A_138 : vector<256xf32> to vector<1x256x1xf32>
    %eq3A_140 = vector.broadcast %broadcast_in_dim3A_139 : vector<1x256x1xf32> to vector<16x256x128xf32>
    %eq3A_141 = arith.cmpf oeq, %select_n3A_134, %eq3A_140 : vector<16x256x128xf32>
    %jit3A_142 = arith.constant 1073741824 : i32
    %broadcast_in_dim3A_143 = vector.broadcast %jit3A_142 : i32 to vector<16x256x128xi32>
    %select_n3A_144 = arith.select %eq3A_141, %add3A_31, %broadcast_in_dim3A_143 : vector<16x256x128xi1>, vector<16x256x128xi32>
    %reduce_min3A_145 = arith.constant dense<2147483647> : vector<256x128xi32>
    %reduce_min3A_146 = vector.multi_reduction <minsi>, %select_n3A_144, %reduce_min3A_145 [0] : vector<16x256x128xi32> to vector<256x128xi32>
    %reduce_min3A_147 = arith.constant dense<2147483647> : vector<256xi32>
    %reduce_min3A_148 = vector.multi_reduction <minsi>, %reduce_min3A_146, %reduce_min3A_147 [1] : vector<256x128xi32> to vector<256xi32>
    %broadcast_in_dim3A_149 = vector.shape_cast %reduce_min3A_148 : vector<256xi32> to vector<1x256x1xi32>
    %eq3A_150 = vector.broadcast %broadcast_in_dim3A_149 : vector<1x256x1xi32> to vector<16x256x128xi32>
    %eq3A_151 = arith.cmpi eq, %add3A_31, %eq3A_150 : vector<16x256x128xi32>
    %and3A_152 = arith.andi %eq3A_141, %eq3A_151 : vector<16x256x128xi1>
    %jit3A_153 = arith.constant 3.000000e+38 : f32
    %broadcast_in_dim3A_154 = vector.broadcast %jit3A_153 : f32 to vector<16x256x128xf32>
    %select_n3A_155 = arith.select %and3A_152, %broadcast_in_dim3A_154, %select_n3A_134 : vector<16x256x128xi1>, vector<16x256x128xf32>
    %reduce_min3A_156 = arith.constant dense<0x7F800000> : vector<256x128xf32>
    %reduce_min3A_157 = vector.multi_reduction <minimumf>, %select_n3A_155, %reduce_min3A_156 [0] : vector<16x256x128xf32> to vector<256x128xf32>
    %reduce_min3A_158 = arith.constant dense<0x7F800000> : vector<256xf32>
    %reduce_min3A_159 = vector.multi_reduction <minimumf>, %reduce_min3A_157, %reduce_min3A_158 [1] : vector<256x128xf32> to vector<256xf32>
    %broadcast_in_dim3A_160 = vector.shape_cast %reduce_min3A_159 : vector<256xf32> to vector<1x256x1xf32>
    %eq3A_161 = vector.broadcast %broadcast_in_dim3A_160 : vector<1x256x1xf32> to vector<16x256x128xf32>
    %eq3A_162 = arith.cmpf oeq, %select_n3A_155, %eq3A_161 : vector<16x256x128xf32>
    %jit3A_163 = arith.constant 1073741824 : i32
    %broadcast_in_dim3A_164 = vector.broadcast %jit3A_163 : i32 to vector<16x256x128xi32>
    %select_n3A_165 = arith.select %eq3A_162, %add3A_31, %broadcast_in_dim3A_164 : vector<16x256x128xi1>, vector<16x256x128xi32>
    %reduce_min3A_166 = arith.constant dense<2147483647> : vector<256x128xi32>
    %reduce_min3A_167 = vector.multi_reduction <minsi>, %select_n3A_165, %reduce_min3A_166 [0] : vector<16x256x128xi32> to vector<256x128xi32>
    %reduce_min3A_168 = arith.constant dense<2147483647> : vector<256xi32>
    %reduce_min3A_169 = vector.multi_reduction <minsi>, %reduce_min3A_167, %reduce_min3A_168 [1] : vector<256x128xi32> to vector<256xi32>
    %broadcast_in_dim3A_170 = vector.shape_cast %reduce_min3A_169 : vector<256xi32> to vector<1x256x1xi32>
    %eq3A_171 = vector.broadcast %broadcast_in_dim3A_170 : vector<1x256x1xi32> to vector<16x256x128xi32>
    %eq3A_172 = arith.cmpi eq, %add3A_31, %eq3A_171 : vector<16x256x128xi32>
    %and3A_173 = arith.andi %eq3A_162, %eq3A_172 : vector<16x256x128xi1>
    %jit3A_174 = arith.constant 3.000000e+38 : f32
    %broadcast_in_dim3A_175 = vector.broadcast %jit3A_174 : f32 to vector<16x256x128xf32>
    %select_n3A_176 = arith.select %and3A_173, %broadcast_in_dim3A_175, %select_n3A_155 : vector<16x256x128xi1>, vector<16x256x128xf32>
    %reduce_min3A_177 = arith.constant dense<0x7F800000> : vector<256x128xf32>
    %reduce_min3A_178 = vector.multi_reduction <minimumf>, %select_n3A_176, %reduce_min3A_177 [0] : vector<16x256x128xf32> to vector<256x128xf32>
    %reduce_min3A_179 = arith.constant dense<0x7F800000> : vector<256xf32>
    %reduce_min3A_180 = vector.multi_reduction <minimumf>, %reduce_min3A_178, %reduce_min3A_179 [1] : vector<256x128xf32> to vector<256xf32>
    %broadcast_in_dim3A_181 = vector.shape_cast %reduce_min3A_180 : vector<256xf32> to vector<1x256x1xf32>
    %eq3A_182 = vector.broadcast %broadcast_in_dim3A_181 : vector<1x256x1xf32> to vector<16x256x128xf32>
    %eq3A_183 = arith.cmpf oeq, %select_n3A_176, %eq3A_182 : vector<16x256x128xf32>
    %jit3A_184 = arith.constant 1073741824 : i32
    %broadcast_in_dim3A_185 = vector.broadcast %jit3A_184 : i32 to vector<16x256x128xi32>
    %select_n3A_186 = arith.select %eq3A_183, %add3A_31, %broadcast_in_dim3A_185 : vector<16x256x128xi1>, vector<16x256x128xi32>
    %reduce_min3A_187 = arith.constant dense<2147483647> : vector<256x128xi32>
    %reduce_min3A_188 = vector.multi_reduction <minsi>, %select_n3A_186, %reduce_min3A_187 [0] : vector<16x256x128xi32> to vector<256x128xi32>
    %reduce_min3A_189 = arith.constant dense<2147483647> : vector<256xi32>
    %reduce_min3A_190 = vector.multi_reduction <minsi>, %reduce_min3A_188, %reduce_min3A_189 [1] : vector<256x128xi32> to vector<256xi32>
    %get3A_191 = arith.constant 0 : index
    %get3A_192 = arith.constant 0 : index
    %get3A_193 = vector.load %arg3[%get3A_191, %get3A_192] : memref<800x128xf32, #tpu.memory_space<vmem>>, vector<800x128xf32>
    %jit3A_194 = arith.constant 128 : i32
    %div3A_195 = vector.broadcast %jit3A_194 : i32 to vector<256xi32>
    %div3A_196 = arith.divsi %reduce_min3A_43, %div3A_195 : vector<256xi32>
    %sign3A_197 = arith.constant 0 : i32
    %sign3A_198 = vector.broadcast %sign3A_197 : i32 to vector<256xi32>
    %sign3A_199 = arith.cmpi sgt, %reduce_min3A_43, %sign3A_198 : vector<256xi32>
    %sign3A_200 = arith.extui %sign3A_199 : vector<256xi1> to vector<256xi32>
    %sign3A_201 = arith.constant 0 : i32
    %sign3A_202 = vector.broadcast %sign3A_201 : i32 to vector<256xi32>
    %sign3A_203 = arith.cmpi slt, %reduce_min3A_43, %sign3A_202 : vector<256xi32>
    %sign3A_204 = arith.extui %sign3A_203 : vector<256xi1> to vector<256xi32>
    %sign3A_205 = arith.subi %sign3A_200, %sign3A_204 : vector<256xi32>
    %sign3A_206 = arith.constant 0 : i32
    %sign3A_207 = arith.cmpi sgt, %jit3A_194, %sign3A_206 : i32
    %sign3A_208 = arith.extui %sign3A_207 : i1 to i32
    %sign3A_209 = arith.constant 0 : i32
    %sign3A_210 = arith.cmpi slt, %jit3A_194, %sign3A_209 : i32
    %sign3A_211 = arith.extui %sign3A_210 : i1 to i32
    %sign3A_212 = arith.subi %sign3A_208, %sign3A_211 : i32
    %ne3A_213 = vector.broadcast %sign3A_212 : i32 to vector<256xi32>
    %ne3A_214 = arith.cmpi ne, %sign3A_205, %ne3A_213 : vector<256xi32>
    %rem3A_215 = vector.broadcast %jit3A_194 : i32 to vector<256xi32>
    %rem3A_216 = arith.remsi %reduce_min3A_43, %rem3A_215 : vector<256xi32>
    %ne3A_217 = arith.constant 0 : i32
    %ne3A_218 = vector.broadcast %ne3A_217 : i32 to vector<256xi32>
    %ne3A_219 = arith.cmpi ne, %rem3A_216, %ne3A_218 : vector<256xi32>
    %and3A_220 = arith.andi %ne3A_214, %ne3A_219 : vector<256xi1>
    %sub3A_221 = arith.constant 1 : i32
    %sub3A_222 = vector.broadcast %sub3A_221 : i32 to vector<256xi32>
    %sub3A_223 = arith.subi %div3A_196, %sub3A_222 : vector<256xi32>
    %select_n3A_224 = arith.select %and3A_220, %sub3A_223, %div3A_196 : vector<256xi1>, vector<256xi32>
    %mul3A_225 = arith.constant 128 : i32
    %mul3A_226 = vector.broadcast %mul3A_225 : i32 to vector<256xi32>
    %mul3A_227 = arith.muli %select_n3A_224, %mul3A_226 : vector<256xi32>
    %sub3A_228 = arith.subi %reduce_min3A_43, %mul3A_227 : vector<256xi32>
    %iota3A_229 = tpu.iota {dimensions = array<i32: 1>} : vector<256x800xi32>
    %broadcast_in_dim3A_230 = vector.shape_cast %select_n3A_224 : vector<256xi32> to vector<256x1xi32>
    %eq3A_231 = vector.broadcast %broadcast_in_dim3A_230 : vector<256x1xi32> to vector<256x800xi32>
    %eq3A_232 = arith.cmpi eq, %iota3A_229, %eq3A_231 : vector<256x800xi32>
    %convert_element_type3A = arith.extui %eq3A_232 : vector<256x800xi1> to vector<256x800xi32>
    %convert_element_type3A_233 = arith.sitofp %convert_element_type3A : vector<256x800xi32> to vector<256x800xf32>
    %dot_general3A = arith.constant dense<0.000000e+00> : vector<256x128xf32>
    %dot_general3A_234 = tpu.matmul %convert_element_type3A_233, %get3A_193, %dot_general3A {dimension_numbers = #tpu.dot_dimension_numbers<[1], [0], [0], [1], [0, 0, 1, 1], [], []>, transpose_lhs_hint = false} : vector<256x800xf32>, vector<800x128xf32>, vector<256x128xf32> -> vector<256x128xf32>
    %iota3A_235 = tpu.iota {dimensions = array<i32: 1>} : vector<256x128xi32>
    %broadcast_in_dim3A_236 = vector.shape_cast %sub3A_228 : vector<256xi32> to vector<256x1xi32>
    %eq3A_237 = vector.broadcast %broadcast_in_dim3A_236 : vector<256x1xi32> to vector<256x128xi32>
    %eq3A_238 = arith.cmpi eq, %iota3A_235, %eq3A_237 : vector<256x128xi32>
    %convert_element_type3A_239 = arith.extui %eq3A_238 : vector<256x128xi1> to vector<256x128xi32>
    %convert_element_type3A_240 = arith.sitofp %convert_element_type3A_239 : vector<256x128xi32> to vector<256x128xf32>
    %mul3A_241 = arith.mulf %dot_general3A_234, %convert_element_type3A_240 : vector<256x128xf32>
    %reduce_sum3A = arith.constant dense<0.000000e+00> : vector<256xf32>
    %reduce_sum3A_242 = vector.multi_reduction <add>, %mul3A_241, %reduce_sum3A [1] : vector<256x128xf32> to vector<256xf32>
    %jit3A_243 = arith.constant 128 : i32
    %div3A_244 = vector.broadcast %jit3A_243 : i32 to vector<256xi32>
    %div3A_245 = arith.divsi %reduce_min3A_64, %div3A_244 : vector<256xi32>
    %sign3A_246 = arith.constant 0 : i32
    %sign3A_247 = vector.broadcast %sign3A_246 : i32 to vector<256xi32>
    %sign3A_248 = arith.cmpi sgt, %reduce_min3A_64, %sign3A_247 : vector<256xi32>
    %sign3A_249 = arith.extui %sign3A_248 : vector<256xi1> to vector<256xi32>
    %sign3A_250 = arith.constant 0 : i32
    %sign3A_251 = vector.broadcast %sign3A_250 : i32 to vector<256xi32>
    %sign3A_252 = arith.cmpi slt, %reduce_min3A_64, %sign3A_251 : vector<256xi32>
    %sign3A_253 = arith.extui %sign3A_252 : vector<256xi1> to vector<256xi32>
    %sign3A_254 = arith.subi %sign3A_249, %sign3A_253 : vector<256xi32>
    %sign3A_255 = arith.constant 0 : i32
    %sign3A_256 = arith.cmpi sgt, %jit3A_243, %sign3A_255 : i32
    %sign3A_257 = arith.extui %sign3A_256 : i1 to i32
    %sign3A_258 = arith.constant 0 : i32
    %sign3A_259 = arith.cmpi slt, %jit3A_243, %sign3A_258 : i32
    %sign3A_260 = arith.extui %sign3A_259 : i1 to i32
    %sign3A_261 = arith.subi %sign3A_257, %sign3A_260 : i32
    %ne3A_262 = vector.broadcast %sign3A_261 : i32 to vector<256xi32>
    %ne3A_263 = arith.cmpi ne, %sign3A_254, %ne3A_262 : vector<256xi32>
    %rem3A_264 = vector.broadcast %jit3A_243 : i32 to vector<256xi32>
    %rem3A_265 = arith.remsi %reduce_min3A_64, %rem3A_264 : vector<256xi32>
    %ne3A_266 = arith.constant 0 : i32
    %ne3A_267 = vector.broadcast %ne3A_266 : i32 to vector<256xi32>
    %ne3A_268 = arith.cmpi ne, %rem3A_265, %ne3A_267 : vector<256xi32>
    %and3A_269 = arith.andi %ne3A_263, %ne3A_268 : vector<256xi1>
    %sub3A_270 = arith.constant 1 : i32
    %sub3A_271 = vector.broadcast %sub3A_270 : i32 to vector<256xi32>
    %sub3A_272 = arith.subi %div3A_245, %sub3A_271 : vector<256xi32>
    %select_n3A_273 = arith.select %and3A_269, %sub3A_272, %div3A_245 : vector<256xi1>, vector<256xi32>
    %mul3A_274 = arith.constant 128 : i32
    %mul3A_275 = vector.broadcast %mul3A_274 : i32 to vector<256xi32>
    %mul3A_276 = arith.muli %select_n3A_273, %mul3A_275 : vector<256xi32>
    %sub3A_277 = arith.subi %reduce_min3A_64, %mul3A_276 : vector<256xi32>
    %iota3A_278 = tpu.iota {dimensions = array<i32: 1>} : vector<256x800xi32>
    %broadcast_in_dim3A_279 = vector.shape_cast %select_n3A_273 : vector<256xi32> to vector<256x1xi32>
    %eq3A_280 = vector.broadcast %broadcast_in_dim3A_279 : vector<256x1xi32> to vector<256x800xi32>
    %eq3A_281 = arith.cmpi eq, %iota3A_278, %eq3A_280 : vector<256x800xi32>
    %convert_element_type3A_282 = arith.extui %eq3A_281 : vector<256x800xi1> to vector<256x800xi32>
    %convert_element_type3A_283 = arith.sitofp %convert_element_type3A_282 : vector<256x800xi32> to vector<256x800xf32>
    %dot_general3A_284 = arith.constant dense<0.000000e+00> : vector<256x128xf32>
    %dot_general3A_285 = tpu.matmul %convert_element_type3A_283, %get3A_193, %dot_general3A_284 {dimension_numbers = #tpu.dot_dimension_numbers<[1], [0], [0], [1], [0, 0, 1, 1], [], []>, transpose_lhs_hint = false} : vector<256x800xf32>, vector<800x128xf32>, vector<256x128xf32> -> vector<256x128xf32>
    %iota3A_286 = tpu.iota {dimensions = array<i32: 1>} : vector<256x128xi32>
    %broadcast_in_dim3A_287 = vector.shape_cast %sub3A_277 : vector<256xi32> to vector<256x1xi32>
    %eq3A_288 = vector.broadcast %broadcast_in_dim3A_287 : vector<256x1xi32> to vector<256x128xi32>
    %eq3A_289 = arith.cmpi eq, %iota3A_286, %eq3A_288 : vector<256x128xi32>
    %convert_element_type3A_290 = arith.extui %eq3A_289 : vector<256x128xi1> to vector<256x128xi32>
    %convert_element_type3A_291 = arith.sitofp %convert_element_type3A_290 : vector<256x128xi32> to vector<256x128xf32>
    %mul3A_292 = arith.mulf %dot_general3A_285, %convert_element_type3A_291 : vector<256x128xf32>
    %reduce_sum3A_293 = arith.constant dense<0.000000e+00> : vector<256xf32>
    %reduce_sum3A_294 = vector.multi_reduction <add>, %mul3A_292, %reduce_sum3A_293 [1] : vector<256x128xf32> to vector<256xf32>
    %jit3A_295 = arith.constant 128 : i32
    %div3A_296 = vector.broadcast %jit3A_295 : i32 to vector<256xi32>
    %div3A_297 = arith.divsi %reduce_min3A_85, %div3A_296 : vector<256xi32>
    %sign3A_298 = arith.constant 0 : i32
    %sign3A_299 = vector.broadcast %sign3A_298 : i32 to vector<256xi32>
    %sign3A_300 = arith.cmpi sgt, %reduce_min3A_85, %sign3A_299 : vector<256xi32>
    %sign3A_301 = arith.extui %sign3A_300 : vector<256xi1> to vector<256xi32>
    %sign3A_302 = arith.constant 0 : i32
    %sign3A_303 = vector.broadcast %sign3A_302 : i32 to vector<256xi32>
    %sign3A_304 = arith.cmpi slt, %reduce_min3A_85, %sign3A_303 : vector<256xi32>
    %sign3A_305 = arith.extui %sign3A_304 : vector<256xi1> to vector<256xi32>
    %sign3A_306 = arith.subi %sign3A_301, %sign3A_305 : vector<256xi32>
    %sign3A_307 = arith.constant 0 : i32
    %sign3A_308 = arith.cmpi sgt, %jit3A_295, %sign3A_307 : i32
    %sign3A_309 = arith.extui %sign3A_308 : i1 to i32
    %sign3A_310 = arith.constant 0 : i32
    %sign3A_311 = arith.cmpi slt, %jit3A_295, %sign3A_310 : i32
    %sign3A_312 = arith.extui %sign3A_311 : i1 to i32
    %sign3A_313 = arith.subi %sign3A_309, %sign3A_312 : i32
    %ne3A_314 = vector.broadcast %sign3A_313 : i32 to vector<256xi32>
    %ne3A_315 = arith.cmpi ne, %sign3A_306, %ne3A_314 : vector<256xi32>
    %rem3A_316 = vector.broadcast %jit3A_295 : i32 to vector<256xi32>
    %rem3A_317 = arith.remsi %reduce_min3A_85, %rem3A_316 : vector<256xi32>
    %ne3A_318 = arith.constant 0 : i32
    %ne3A_319 = vector.broadcast %ne3A_318 : i32 to vector<256xi32>
    %ne3A_320 = arith.cmpi ne, %rem3A_317, %ne3A_319 : vector<256xi32>
    %and3A_321 = arith.andi %ne3A_315, %ne3A_320 : vector<256xi1>
    %sub3A_322 = arith.constant 1 : i32
    %sub3A_323 = vector.broadcast %sub3A_322 : i32 to vector<256xi32>
    %sub3A_324 = arith.subi %div3A_297, %sub3A_323 : vector<256xi32>
    %select_n3A_325 = arith.select %and3A_321, %sub3A_324, %div3A_297 : vector<256xi1>, vector<256xi32>
    %mul3A_326 = arith.constant 128 : i32
    %mul3A_327 = vector.broadcast %mul3A_326 : i32 to vector<256xi32>
    %mul3A_328 = arith.muli %select_n3A_325, %mul3A_327 : vector<256xi32>
    %sub3A_329 = arith.subi %reduce_min3A_85, %mul3A_328 : vector<256xi32>
    %iota3A_330 = tpu.iota {dimensions = array<i32: 1>} : vector<256x800xi32>
    %broadcast_in_dim3A_331 = vector.shape_cast %select_n3A_325 : vector<256xi32> to vector<256x1xi32>
    %eq3A_332 = vector.broadcast %broadcast_in_dim3A_331 : vector<256x1xi32> to vector<256x800xi32>
    %eq3A_333 = arith.cmpi eq, %iota3A_330, %eq3A_332 : vector<256x800xi32>
    %convert_element_type3A_334 = arith.extui %eq3A_333 : vector<256x800xi1> to vector<256x800xi32>
    %convert_element_type3A_335 = arith.sitofp %convert_element_type3A_334 : vector<256x800xi32> to vector<256x800xf32>
    %dot_general3A_336 = arith.constant dense<0.000000e+00> : vector<256x128xf32>
    %dot_general3A_337 = tpu.matmul %convert_element_type3A_335, %get3A_193, %dot_general3A_336 {dimension_numbers = #tpu.dot_dimension_numbers<[1], [0], [0], [1], [0, 0, 1, 1], [], []>, transpose_lhs_hint = false} : vector<256x800xf32>, vector<800x128xf32>, vector<256x128xf32> -> vector<256x128xf32>
    %iota3A_338 = tpu.iota {dimensions = array<i32: 1>} : vector<256x128xi32>
    %broadcast_in_dim3A_339 = vector.shape_cast %sub3A_329 : vector<256xi32> to vector<256x1xi32>
    %eq3A_340 = vector.broadcast %broadcast_in_dim3A_339 : vector<256x1xi32> to vector<256x128xi32>
    %eq3A_341 = arith.cmpi eq, %iota3A_338, %eq3A_340 : vector<256x128xi32>
    %convert_element_type3A_342 = arith.extui %eq3A_341 : vector<256x128xi1> to vector<256x128xi32>
    %convert_element_type3A_343 = arith.sitofp %convert_element_type3A_342 : vector<256x128xi32> to vector<256x128xf32>
    %mul3A_344 = arith.mulf %dot_general3A_337, %convert_element_type3A_343 : vector<256x128xf32>
    %reduce_sum3A_345 = arith.constant dense<0.000000e+00> : vector<256xf32>
    %reduce_sum3A_346 = vector.multi_reduction <add>, %mul3A_344, %reduce_sum3A_345 [1] : vector<256x128xf32> to vector<256xf32>
    %jit3A_347 = arith.constant 128 : i32
    %div3A_348 = vector.broadcast %jit3A_347 : i32 to vector<256xi32>
    %div3A_349 = arith.divsi %reduce_min3A_106, %div3A_348 : vector<256xi32>
    %sign3A_350 = arith.constant 0 : i32
    %sign3A_351 = vector.broadcast %sign3A_350 : i32 to vector<256xi32>
    %sign3A_352 = arith.cmpi sgt, %reduce_min3A_106, %sign3A_351 : vector<256xi32>
    %sign3A_353 = arith.extui %sign3A_352 : vector<256xi1> to vector<256xi32>
    %sign3A_354 = arith.constant 0 : i32
    %sign3A_355 = vector.broadcast %sign3A_354 : i32 to vector<256xi32>
    %sign3A_356 = arith.cmpi slt, %reduce_min3A_106, %sign3A_355 : vector<256xi32>
    %sign3A_357 = arith.extui %sign3A_356 : vector<256xi1> to vector<256xi32>
    %sign3A_358 = arith.subi %sign3A_353, %sign3A_357 : vector<256xi32>
    %sign3A_359 = arith.constant 0 : i32
    %sign3A_360 = arith.cmpi sgt, %jit3A_347, %sign3A_359 : i32
    %sign3A_361 = arith.extui %sign3A_360 : i1 to i32
    %sign3A_362 = arith.constant 0 : i32
    %sign3A_363 = arith.cmpi slt, %jit3A_347, %sign3A_362 : i32
    %sign3A_364 = arith.extui %sign3A_363 : i1 to i32
    %sign3A_365 = arith.subi %sign3A_361, %sign3A_364 : i32
    %ne3A_366 = vector.broadcast %sign3A_365 : i32 to vector<256xi32>
    %ne3A_367 = arith.cmpi ne, %sign3A_358, %ne3A_366 : vector<256xi32>
    %rem3A_368 = vector.broadcast %jit3A_347 : i32 to vector<256xi32>
    %rem3A_369 = arith.remsi %reduce_min3A_106, %rem3A_368 : vector<256xi32>
    %ne3A_370 = arith.constant 0 : i32
    %ne3A_371 = vector.broadcast %ne3A_370 : i32 to vector<256xi32>
    %ne3A_372 = arith.cmpi ne, %rem3A_369, %ne3A_371 : vector<256xi32>
    %and3A_373 = arith.andi %ne3A_367, %ne3A_372 : vector<256xi1>
    %sub3A_374 = arith.constant 1 : i32
    %sub3A_375 = vector.broadcast %sub3A_374 : i32 to vector<256xi32>
    %sub3A_376 = arith.subi %div3A_349, %sub3A_375 : vector<256xi32>
    %select_n3A_377 = arith.select %and3A_373, %sub3A_376, %div3A_349 : vector<256xi1>, vector<256xi32>
    %mul3A_378 = arith.constant 128 : i32
    %mul3A_379 = vector.broadcast %mul3A_378 : i32 to vector<256xi32>
    %mul3A_380 = arith.muli %select_n3A_377, %mul3A_379 : vector<256xi32>
    %sub3A_381 = arith.subi %reduce_min3A_106, %mul3A_380 : vector<256xi32>
    %iota3A_382 = tpu.iota {dimensions = array<i32: 1>} : vector<256x800xi32>
    %broadcast_in_dim3A_383 = vector.shape_cast %select_n3A_377 : vector<256xi32> to vector<256x1xi32>
    %eq3A_384 = vector.broadcast %broadcast_in_dim3A_383 : vector<256x1xi32> to vector<256x800xi32>
    %eq3A_385 = arith.cmpi eq, %iota3A_382, %eq3A_384 : vector<256x800xi32>
    %convert_element_type3A_386 = arith.extui %eq3A_385 : vector<256x800xi1> to vector<256x800xi32>
    %convert_element_type3A_387 = arith.sitofp %convert_element_type3A_386 : vector<256x800xi32> to vector<256x800xf32>
    %dot_general3A_388 = arith.constant dense<0.000000e+00> : vector<256x128xf32>
    %dot_general3A_389 = tpu.matmul %convert_element_type3A_387, %get3A_193, %dot_general3A_388 {dimension_numbers = #tpu.dot_dimension_numbers<[1], [0], [0], [1], [0, 0, 1, 1], [], []>, transpose_lhs_hint = false} : vector<256x800xf32>, vector<800x128xf32>, vector<256x128xf32> -> vector<256x128xf32>
    %iota3A_390 = tpu.iota {dimensions = array<i32: 1>} : vector<256x128xi32>
    %broadcast_in_dim3A_391 = vector.shape_cast %sub3A_381 : vector<256xi32> to vector<256x1xi32>
    %eq3A_392 = vector.broadcast %broadcast_in_dim3A_391 : vector<256x1xi32> to vector<256x128xi32>
    %eq3A_393 = arith.cmpi eq, %iota3A_390, %eq3A_392 : vector<256x128xi32>
    %convert_element_type3A_394 = arith.extui %eq3A_393 : vector<256x128xi1> to vector<256x128xi32>
    %convert_element_type3A_395 = arith.sitofp %convert_element_type3A_394 : vector<256x128xi32> to vector<256x128xf32>
    %mul3A_396 = arith.mulf %dot_general3A_389, %convert_element_type3A_395 : vector<256x128xf32>
    %reduce_sum3A_397 = arith.constant dense<0.000000e+00> : vector<256xf32>
    %reduce_sum3A_398 = vector.multi_reduction <add>, %mul3A_396, %reduce_sum3A_397 [1] : vector<256x128xf32> to vector<256xf32>
    %jit3A_399 = arith.constant 128 : i32
    %div3A_400 = vector.broadcast %jit3A_399 : i32 to vector<256xi32>
    %div3A_401 = arith.divsi %reduce_min3A_127, %div3A_400 : vector<256xi32>
    %sign3A_402 = arith.constant 0 : i32
    %sign3A_403 = vector.broadcast %sign3A_402 : i32 to vector<256xi32>
    %sign3A_404 = arith.cmpi sgt, %reduce_min3A_127, %sign3A_403 : vector<256xi32>
    %sign3A_405 = arith.extui %sign3A_404 : vector<256xi1> to vector<256xi32>
    %sign3A_406 = arith.constant 0 : i32
    %sign3A_407 = vector.broadcast %sign3A_406 : i32 to vector<256xi32>
    %sign3A_408 = arith.cmpi slt, %reduce_min3A_127, %sign3A_407 : vector<256xi32>
    %sign3A_409 = arith.extui %sign3A_408 : vector<256xi1> to vector<256xi32>
    %sign3A_410 = arith.subi %sign3A_405, %sign3A_409 : vector<256xi32>
    %sign3A_411 = arith.constant 0 : i32
    %sign3A_412 = arith.cmpi sgt, %jit3A_399, %sign3A_411 : i32
    %sign3A_413 = arith.extui %sign3A_412 : i1 to i32
    %sign3A_414 = arith.constant 0 : i32
    %sign3A_415 = arith.cmpi slt, %jit3A_399, %sign3A_414 : i32
    %sign3A_416 = arith.extui %sign3A_415 : i1 to i32
    %sign3A_417 = arith.subi %sign3A_413, %sign3A_416 : i32
    %ne3A_418 = vector.broadcast %sign3A_417 : i32 to vector<256xi32>
    %ne3A_419 = arith.cmpi ne, %sign3A_410, %ne3A_418 : vector<256xi32>
    %rem3A_420 = vector.broadcast %jit3A_399 : i32 to vector<256xi32>
    %rem3A_421 = arith.remsi %reduce_min3A_127, %rem3A_420 : vector<256xi32>
    %ne3A_422 = arith.constant 0 : i32
    %ne3A_423 = vector.broadcast %ne3A_422 : i32 to vector<256xi32>
    %ne3A_424 = arith.cmpi ne, %rem3A_421, %ne3A_423 : vector<256xi32>
    %and3A_425 = arith.andi %ne3A_419, %ne3A_424 : vector<256xi1>
    %sub3A_426 = arith.constant 1 : i32
    %sub3A_427 = vector.broadcast %sub3A_426 : i32 to vector<256xi32>
    %sub3A_428 = arith.subi %div3A_401, %sub3A_427 : vector<256xi32>
    %select_n3A_429 = arith.select %and3A_425, %sub3A_428, %div3A_401 : vector<256xi1>, vector<256xi32>
    %mul3A_430 = arith.constant 128 : i32
    %mul3A_431 = vector.broadcast %mul3A_430 : i32 to vector<256xi32>
    %mul3A_432 = arith.muli %select_n3A_429, %mul3A_431 : vector<256xi32>
    %sub3A_433 = arith.subi %reduce_min3A_127, %mul3A_432 : vector<256xi32>
    %iota3A_434 = tpu.iota {dimensions = array<i32: 1>} : vector<256x800xi32>
    %broadcast_in_dim3A_435 = vector.shape_cast %select_n3A_429 : vector<256xi32> to vector<256x1xi32>
    %eq3A_436 = vector.broadcast %broadcast_in_dim3A_435 : vector<256x1xi32> to vector<256x800xi32>
    %eq3A_437 = arith.cmpi eq, %iota3A_434, %eq3A_436 : vector<256x800xi32>
    %convert_element_type3A_438 = arith.extui %eq3A_437 : vector<256x800xi1> to vector<256x800xi32>
    %convert_element_type3A_439 = arith.sitofp %convert_element_type3A_438 : vector<256x800xi32> to vector<256x800xf32>
    %dot_general3A_440 = arith.constant dense<0.000000e+00> : vector<256x128xf32>
    %dot_general3A_441 = tpu.matmul %convert_element_type3A_439, %get3A_193, %dot_general3A_440 {dimension_numbers = #tpu.dot_dimension_numbers<[1], [0], [0], [1], [0, 0, 1, 1], [], []>, transpose_lhs_hint = false} : vector<256x800xf32>, vector<800x128xf32>, vector<256x128xf32> -> vector<256x128xf32>
    %iota3A_442 = tpu.iota {dimensions = array<i32: 1>} : vector<256x128xi32>
    %broadcast_in_dim3A_443 = vector.shape_cast %sub3A_433 : vector<256xi32> to vector<256x1xi32>
    %eq3A_444 = vector.broadcast %broadcast_in_dim3A_443 : vector<256x1xi32> to vector<256x128xi32>
    %eq3A_445 = arith.cmpi eq, %iota3A_442, %eq3A_444 : vector<256x128xi32>
    %convert_element_type3A_446 = arith.extui %eq3A_445 : vector<256x128xi1> to vector<256x128xi32>
    %convert_element_type3A_447 = arith.sitofp %convert_element_type3A_446 : vector<256x128xi32> to vector<256x128xf32>
    %mul3A_448 = arith.mulf %dot_general3A_441, %convert_element_type3A_447 : vector<256x128xf32>
    %reduce_sum3A_449 = arith.constant dense<0.000000e+00> : vector<256xf32>
    %reduce_sum3A_450 = vector.multi_reduction <add>, %mul3A_448, %reduce_sum3A_449 [1] : vector<256x128xf32> to vector<256xf32>
    %jit3A_451 = arith.constant 128 : i32
    %div3A_452 = vector.broadcast %jit3A_451 : i32 to vector<256xi32>
    %div3A_453 = arith.divsi %reduce_min3A_148, %div3A_452 : vector<256xi32>
    %sign3A_454 = arith.constant 0 : i32
    %sign3A_455 = vector.broadcast %sign3A_454 : i32 to vector<256xi32>
    %sign3A_456 = arith.cmpi sgt, %reduce_min3A_148, %sign3A_455 : vector<256xi32>
    %sign3A_457 = arith.extui %sign3A_456 : vector<256xi1> to vector<256xi32>
    %sign3A_458 = arith.constant 0 : i32
    %sign3A_459 = vector.broadcast %sign3A_458 : i32 to vector<256xi32>
    %sign3A_460 = arith.cmpi slt, %reduce_min3A_148, %sign3A_459 : vector<256xi32>
    %sign3A_461 = arith.extui %sign3A_460 : vector<256xi1> to vector<256xi32>
    %sign3A_462 = arith.subi %sign3A_457, %sign3A_461 : vector<256xi32>
    %sign3A_463 = arith.constant 0 : i32
    %sign3A_464 = arith.cmpi sgt, %jit3A_451, %sign3A_463 : i32
    %sign3A_465 = arith.extui %sign3A_464 : i1 to i32
    %sign3A_466 = arith.constant 0 : i32
    %sign3A_467 = arith.cmpi slt, %jit3A_451, %sign3A_466 : i32
    %sign3A_468 = arith.extui %sign3A_467 : i1 to i32
    %sign3A_469 = arith.subi %sign3A_465, %sign3A_468 : i32
    %ne3A_470 = vector.broadcast %sign3A_469 : i32 to vector<256xi32>
    %ne3A_471 = arith.cmpi ne, %sign3A_462, %ne3A_470 : vector<256xi32>
    %rem3A_472 = vector.broadcast %jit3A_451 : i32 to vector<256xi32>
    %rem3A_473 = arith.remsi %reduce_min3A_148, %rem3A_472 : vector<256xi32>
    %ne3A_474 = arith.constant 0 : i32
    %ne3A_475 = vector.broadcast %ne3A_474 : i32 to vector<256xi32>
    %ne3A_476 = arith.cmpi ne, %rem3A_473, %ne3A_475 : vector<256xi32>
    %and3A_477 = arith.andi %ne3A_471, %ne3A_476 : vector<256xi1>
    %sub3A_478 = arith.constant 1 : i32
    %sub3A_479 = vector.broadcast %sub3A_478 : i32 to vector<256xi32>
    %sub3A_480 = arith.subi %div3A_453, %sub3A_479 : vector<256xi32>
    %select_n3A_481 = arith.select %and3A_477, %sub3A_480, %div3A_453 : vector<256xi1>, vector<256xi32>
    %mul3A_482 = arith.constant 128 : i32
    %mul3A_483 = vector.broadcast %mul3A_482 : i32 to vector<256xi32>
    %mul3A_484 = arith.muli %select_n3A_481, %mul3A_483 : vector<256xi32>
    %sub3A_485 = arith.subi %reduce_min3A_148, %mul3A_484 : vector<256xi32>
    %iota3A_486 = tpu.iota {dimensions = array<i32: 1>} : vector<256x800xi32>
    %broadcast_in_dim3A_487 = vector.shape_cast %select_n3A_481 : vector<256xi32> to vector<256x1xi32>
    %eq3A_488 = vector.broadcast %broadcast_in_dim3A_487 : vector<256x1xi32> to vector<256x800xi32>
    %eq3A_489 = arith.cmpi eq, %iota3A_486, %eq3A_488 : vector<256x800xi32>
    %convert_element_type3A_490 = arith.extui %eq3A_489 : vector<256x800xi1> to vector<256x800xi32>
    %convert_element_type3A_491 = arith.sitofp %convert_element_type3A_490 : vector<256x800xi32> to vector<256x800xf32>
    %dot_general3A_492 = arith.constant dense<0.000000e+00> : vector<256x128xf32>
    %dot_general3A_493 = tpu.matmul %convert_element_type3A_491, %get3A_193, %dot_general3A_492 {dimension_numbers = #tpu.dot_dimension_numbers<[1], [0], [0], [1], [0, 0, 1, 1], [], []>, transpose_lhs_hint = false} : vector<256x800xf32>, vector<800x128xf32>, vector<256x128xf32> -> vector<256x128xf32>
    %iota3A_494 = tpu.iota {dimensions = array<i32: 1>} : vector<256x128xi32>
    %broadcast_in_dim3A_495 = vector.shape_cast %sub3A_485 : vector<256xi32> to vector<256x1xi32>
    %eq3A_496 = vector.broadcast %broadcast_in_dim3A_495 : vector<256x1xi32> to vector<256x128xi32>
    %eq3A_497 = arith.cmpi eq, %iota3A_494, %eq3A_496 : vector<256x128xi32>
    %convert_element_type3A_498 = arith.extui %eq3A_497 : vector<256x128xi1> to vector<256x128xi32>
    %convert_element_type3A_499 = arith.sitofp %convert_element_type3A_498 : vector<256x128xi32> to vector<256x128xf32>
    %mul3A_500 = arith.mulf %dot_general3A_493, %convert_element_type3A_499 : vector<256x128xf32>
    %reduce_sum3A_501 = arith.constant dense<0.000000e+00> : vector<256xf32>
    %reduce_sum3A_502 = vector.multi_reduction <add>, %mul3A_500, %reduce_sum3A_501 [1] : vector<256x128xf32> to vector<256xf32>
    %jit3A_503 = arith.constant 128 : i32
    %div3A_504 = vector.broadcast %jit3A_503 : i32 to vector<256xi32>
    %div3A_505 = arith.divsi %reduce_min3A_169, %div3A_504 : vector<256xi32>
    %sign3A_506 = arith.constant 0 : i32
    %sign3A_507 = vector.broadcast %sign3A_506 : i32 to vector<256xi32>
    %sign3A_508 = arith.cmpi sgt, %reduce_min3A_169, %sign3A_507 : vector<256xi32>
    %sign3A_509 = arith.extui %sign3A_508 : vector<256xi1> to vector<256xi32>
    %sign3A_510 = arith.constant 0 : i32
    %sign3A_511 = vector.broadcast %sign3A_510 : i32 to vector<256xi32>
    %sign3A_512 = arith.cmpi slt, %reduce_min3A_169, %sign3A_511 : vector<256xi32>
    %sign3A_513 = arith.extui %sign3A_512 : vector<256xi1> to vector<256xi32>
    %sign3A_514 = arith.subi %sign3A_509, %sign3A_513 : vector<256xi32>
    %sign3A_515 = arith.constant 0 : i32
    %sign3A_516 = arith.cmpi sgt, %jit3A_503, %sign3A_515 : i32
    %sign3A_517 = arith.extui %sign3A_516 : i1 to i32
    %sign3A_518 = arith.constant 0 : i32
    %sign3A_519 = arith.cmpi slt, %jit3A_503, %sign3A_518 : i32
    %sign3A_520 = arith.extui %sign3A_519 : i1 to i32
    %sign3A_521 = arith.subi %sign3A_517, %sign3A_520 : i32
    %ne3A_522 = vector.broadcast %sign3A_521 : i32 to vector<256xi32>
    %ne3A_523 = arith.cmpi ne, %sign3A_514, %ne3A_522 : vector<256xi32>
    %rem3A_524 = vector.broadcast %jit3A_503 : i32 to vector<256xi32>
    %rem3A_525 = arith.remsi %reduce_min3A_169, %rem3A_524 : vector<256xi32>
    %ne3A_526 = arith.constant 0 : i32
    %ne3A_527 = vector.broadcast %ne3A_526 : i32 to vector<256xi32>
    %ne3A_528 = arith.cmpi ne, %rem3A_525, %ne3A_527 : vector<256xi32>
    %and3A_529 = arith.andi %ne3A_523, %ne3A_528 : vector<256xi1>
    %sub3A_530 = arith.constant 1 : i32
    %sub3A_531 = vector.broadcast %sub3A_530 : i32 to vector<256xi32>
    %sub3A_532 = arith.subi %div3A_505, %sub3A_531 : vector<256xi32>
    %select_n3A_533 = arith.select %and3A_529, %sub3A_532, %div3A_505 : vector<256xi1>, vector<256xi32>
    %mul3A_534 = arith.constant 128 : i32
    %mul3A_535 = vector.broadcast %mul3A_534 : i32 to vector<256xi32>
    %mul3A_536 = arith.muli %select_n3A_533, %mul3A_535 : vector<256xi32>
    %sub3A_537 = arith.subi %reduce_min3A_169, %mul3A_536 : vector<256xi32>
    %iota3A_538 = tpu.iota {dimensions = array<i32: 1>} : vector<256x800xi32>
    %broadcast_in_dim3A_539 = vector.shape_cast %select_n3A_533 : vector<256xi32> to vector<256x1xi32>
    %eq3A_540 = vector.broadcast %broadcast_in_dim3A_539 : vector<256x1xi32> to vector<256x800xi32>
    %eq3A_541 = arith.cmpi eq, %iota3A_538, %eq3A_540 : vector<256x800xi32>
    %convert_element_type3A_542 = arith.extui %eq3A_541 : vector<256x800xi1> to vector<256x800xi32>
    %convert_element_type3A_543 = arith.sitofp %convert_element_type3A_542 : vector<256x800xi32> to vector<256x800xf32>
    %dot_general3A_544 = arith.constant dense<0.000000e+00> : vector<256x128xf32>
    %dot_general3A_545 = tpu.matmul %convert_element_type3A_543, %get3A_193, %dot_general3A_544 {dimension_numbers = #tpu.dot_dimension_numbers<[1], [0], [0], [1], [0, 0, 1, 1], [], []>, transpose_lhs_hint = false} : vector<256x800xf32>, vector<800x128xf32>, vector<256x128xf32> -> vector<256x128xf32>
    %iota3A_546 = tpu.iota {dimensions = array<i32: 1>} : vector<256x128xi32>
    %broadcast_in_dim3A_547 = vector.shape_cast %sub3A_537 : vector<256xi32> to vector<256x1xi32>
    %eq3A_548 = vector.broadcast %broadcast_in_dim3A_547 : vector<256x1xi32> to vector<256x128xi32>
    %eq3A_549 = arith.cmpi eq, %iota3A_546, %eq3A_548 : vector<256x128xi32>
    %convert_element_type3A_550 = arith.extui %eq3A_549 : vector<256x128xi1> to vector<256x128xi32>
    %convert_element_type3A_551 = arith.sitofp %convert_element_type3A_550 : vector<256x128xi32> to vector<256x128xf32>
    %mul3A_552 = arith.mulf %dot_general3A_545, %convert_element_type3A_551 : vector<256x128xf32>
    %reduce_sum3A_553 = arith.constant dense<0.000000e+00> : vector<256xf32>
    %reduce_sum3A_554 = vector.multi_reduction <add>, %mul3A_552, %reduce_sum3A_553 [1] : vector<256x128xf32> to vector<256xf32>
    %jit3A_555 = arith.constant 128 : i32
    %div3A_556 = vector.broadcast %jit3A_555 : i32 to vector<256xi32>
    %div3A_557 = arith.divsi %reduce_min3A_190, %div3A_556 : vector<256xi32>
    %sign3A_558 = arith.constant 0 : i32
    %sign3A_559 = vector.broadcast %sign3A_558 : i32 to vector<256xi32>
    %sign3A_560 = arith.cmpi sgt, %reduce_min3A_190, %sign3A_559 : vector<256xi32>
    %sign3A_561 = arith.extui %sign3A_560 : vector<256xi1> to vector<256xi32>
    %sign3A_562 = arith.constant 0 : i32
    %sign3A_563 = vector.broadcast %sign3A_562 : i32 to vector<256xi32>
    %sign3A_564 = arith.cmpi slt, %reduce_min3A_190, %sign3A_563 : vector<256xi32>
    %sign3A_565 = arith.extui %sign3A_564 : vector<256xi1> to vector<256xi32>
    %sign3A_566 = arith.subi %sign3A_561, %sign3A_565 : vector<256xi32>
    %sign3A_567 = arith.constant 0 : i32
    %sign3A_568 = arith.cmpi sgt, %jit3A_555, %sign3A_567 : i32
    %sign3A_569 = arith.extui %sign3A_568 : i1 to i32
    %sign3A_570 = arith.constant 0 : i32
    %sign3A_571 = arith.cmpi slt, %jit3A_555, %sign3A_570 : i32
    %sign3A_572 = arith.extui %sign3A_571 : i1 to i32
    %sign3A_573 = arith.subi %sign3A_569, %sign3A_572 : i32
    %ne3A_574 = vector.broadcast %sign3A_573 : i32 to vector<256xi32>
    %ne3A_575 = arith.cmpi ne, %sign3A_566, %ne3A_574 : vector<256xi32>
    %rem3A_576 = vector.broadcast %jit3A_555 : i32 to vector<256xi32>
    %rem3A_577 = arith.remsi %reduce_min3A_190, %rem3A_576 : vector<256xi32>
    %ne3A_578 = arith.constant 0 : i32
    %ne3A_579 = vector.broadcast %ne3A_578 : i32 to vector<256xi32>
    %ne3A_580 = arith.cmpi ne, %rem3A_577, %ne3A_579 : vector<256xi32>
    %and3A_581 = arith.andi %ne3A_575, %ne3A_580 : vector<256xi1>
    %sub3A_582 = arith.constant 1 : i32
    %sub3A_583 = vector.broadcast %sub3A_582 : i32 to vector<256xi32>
    %sub3A_584 = arith.subi %div3A_557, %sub3A_583 : vector<256xi32>
    %select_n3A_585 = arith.select %and3A_581, %sub3A_584, %div3A_557 : vector<256xi1>, vector<256xi32>
    %mul3A_586 = arith.constant 128 : i32
    %mul3A_587 = vector.broadcast %mul3A_586 : i32 to vector<256xi32>
    %mul3A_588 = arith.muli %select_n3A_585, %mul3A_587 : vector<256xi32>
    %sub3A_589 = arith.subi %reduce_min3A_190, %mul3A_588 : vector<256xi32>
    %iota3A_590 = tpu.iota {dimensions = array<i32: 1>} : vector<256x800xi32>
    %broadcast_in_dim3A_591 = vector.shape_cast %select_n3A_585 : vector<256xi32> to vector<256x1xi32>
    %eq3A_592 = vector.broadcast %broadcast_in_dim3A_591 : vector<256x1xi32> to vector<256x800xi32>
    %eq3A_593 = arith.cmpi eq, %iota3A_590, %eq3A_592 : vector<256x800xi32>
    %convert_element_type3A_594 = arith.extui %eq3A_593 : vector<256x800xi1> to vector<256x800xi32>
    %convert_element_type3A_595 = arith.sitofp %convert_element_type3A_594 : vector<256x800xi32> to vector<256x800xf32>
    %dot_general3A_596 = arith.constant dense<0.000000e+00> : vector<256x128xf32>
    %dot_general3A_597 = tpu.matmul %convert_element_type3A_595, %get3A_193, %dot_general3A_596 {dimension_numbers = #tpu.dot_dimension_numbers<[1], [0], [0], [1], [0, 0, 1, 1], [], []>, transpose_lhs_hint = false} : vector<256x800xf32>, vector<800x128xf32>, vector<256x128xf32> -> vector<256x128xf32>
    %iota3A_598 = tpu.iota {dimensions = array<i32: 1>} : vector<256x128xi32>
    %broadcast_in_dim3A_599 = vector.shape_cast %sub3A_589 : vector<256xi32> to vector<256x1xi32>
    %eq3A_600 = vector.broadcast %broadcast_in_dim3A_599 : vector<256x1xi32> to vector<256x128xi32>
    %eq3A_601 = arith.cmpi eq, %iota3A_598, %eq3A_600 : vector<256x128xi32>
    %convert_element_type3A_602 = arith.extui %eq3A_601 : vector<256x128xi1> to vector<256x128xi32>
    %convert_element_type3A_603 = arith.sitofp %convert_element_type3A_602 : vector<256x128xi32> to vector<256x128xf32>
    %mul3A_604 = arith.mulf %dot_general3A_597, %convert_element_type3A_603 : vector<256x128xf32>
    %reduce_sum3A_605 = arith.constant dense<0.000000e+00> : vector<256xf32>
    %reduce_sum3A_606 = vector.multi_reduction <add>, %mul3A_604, %reduce_sum3A_605 [1] : vector<256x128xf32> to vector<256xf32>
    %broadcast_in_dim3A_607 = arith.constant 0.000000e+00 : f32
    %broadcast_in_dim3A_608 = vector.broadcast %broadcast_in_dim3A_607 : f32 to vector<256xf32>
    %eq3A_609 = arith.cmpf oeq, %reduce_sum3A_242, %reduce_sum3A_242 : vector<256xf32>
    %convert_element_type3A_610 = arith.extui %eq3A_609 : vector<256xi1> to vector<256xi32>
    %convert_element_type3A_611 = arith.sitofp %convert_element_type3A_610 : vector<256xi32> to vector<256xf32>
    %add3A_612 = arith.addf %broadcast_in_dim3A_608, %convert_element_type3A_611 : vector<256xf32>
    %eq3A_613 = arith.cmpf oeq, %reduce_sum3A_242, %reduce_sum3A_294 : vector<256xf32>
    %convert_element_type3A_614 = arith.extui %eq3A_613 : vector<256xi1> to vector<256xi32>
    %convert_element_type3A_615 = arith.sitofp %convert_element_type3A_614 : vector<256xi32> to vector<256xf32>
    %add3A_616 = arith.addf %add3A_612, %convert_element_type3A_615 : vector<256xf32>
    %eq3A_617 = arith.cmpf oeq, %reduce_sum3A_242, %reduce_sum3A_346 : vector<256xf32>
    %convert_element_type3A_618 = arith.extui %eq3A_617 : vector<256xi1> to vector<256xi32>
    %convert_element_type3A_619 = arith.sitofp %convert_element_type3A_618 : vector<256xi32> to vector<256xf32>
    %add3A_620 = arith.addf %add3A_616, %convert_element_type3A_619 : vector<256xf32>
    %eq3A_621 = arith.cmpf oeq, %reduce_sum3A_242, %reduce_sum3A_398 : vector<256xf32>
    %convert_element_type3A_622 = arith.extui %eq3A_621 : vector<256xi1> to vector<256xi32>
    %convert_element_type3A_623 = arith.sitofp %convert_element_type3A_622 : vector<256xi32> to vector<256xf32>
    %add3A_624 = arith.addf %add3A_620, %convert_element_type3A_623 : vector<256xf32>
    %eq3A_625 = arith.cmpf oeq, %reduce_sum3A_242, %reduce_sum3A_450 : vector<256xf32>
    %convert_element_type3A_626 = arith.extui %eq3A_625 : vector<256xi1> to vector<256xi32>
    %convert_element_type3A_627 = arith.sitofp %convert_element_type3A_626 : vector<256xi32> to vector<256xf32>
    %add3A_628 = arith.addf %add3A_624, %convert_element_type3A_627 : vector<256xf32>
    %eq3A_629 = arith.cmpf oeq, %reduce_sum3A_242, %reduce_sum3A_502 : vector<256xf32>
    %convert_element_type3A_630 = arith.extui %eq3A_629 : vector<256xi1> to vector<256xi32>
    %convert_element_type3A_631 = arith.sitofp %convert_element_type3A_630 : vector<256xi32> to vector<256xf32>
    %add3A_632 = arith.addf %add3A_628, %convert_element_type3A_631 : vector<256xf32>
    %eq3A_633 = arith.cmpf oeq, %reduce_sum3A_242, %reduce_sum3A_554 : vector<256xf32>
    %convert_element_type3A_634 = arith.extui %eq3A_633 : vector<256xi1> to vector<256xi32>
    %convert_element_type3A_635 = arith.sitofp %convert_element_type3A_634 : vector<256xi32> to vector<256xf32>
    %add3A_636 = arith.addf %add3A_632, %convert_element_type3A_635 : vector<256xf32>
    %eq3A_637 = arith.cmpf oeq, %reduce_sum3A_242, %reduce_sum3A_606 : vector<256xf32>
    %convert_element_type3A_638 = arith.extui %eq3A_637 : vector<256xi1> to vector<256xi32>
    %convert_element_type3A_639 = arith.sitofp %convert_element_type3A_638 : vector<256xi32> to vector<256xf32>
    %add3A_640 = arith.addf %add3A_636, %convert_element_type3A_639 : vector<256xf32>
    %broadcast_in_dim3A_641 = arith.constant 0.000000e+00 : f32
    %broadcast_in_dim3A_642 = vector.broadcast %broadcast_in_dim3A_641 : f32 to vector<256xf32>
    %eq3A_643 = arith.cmpf oeq, %reduce_sum3A_294, %reduce_sum3A_242 : vector<256xf32>
    %convert_element_type3A_644 = arith.extui %eq3A_643 : vector<256xi1> to vector<256xi32>
    %convert_element_type3A_645 = arith.sitofp %convert_element_type3A_644 : vector<256xi32> to vector<256xf32>
    %add3A_646 = arith.addf %broadcast_in_dim3A_642, %convert_element_type3A_645 : vector<256xf32>
    %eq3A_647 = arith.cmpf oeq, %reduce_sum3A_294, %reduce_sum3A_294 : vector<256xf32>
    %convert_element_type3A_648 = arith.extui %eq3A_647 : vector<256xi1> to vector<256xi32>
    %convert_element_type3A_649 = arith.sitofp %convert_element_type3A_648 : vector<256xi32> to vector<256xf32>
    %add3A_650 = arith.addf %add3A_646, %convert_element_type3A_649 : vector<256xf32>
    %eq3A_651 = arith.cmpf oeq, %reduce_sum3A_294, %reduce_sum3A_346 : vector<256xf32>
    %convert_element_type3A_652 = arith.extui %eq3A_651 : vector<256xi1> to vector<256xi32>
    %convert_element_type3A_653 = arith.sitofp %convert_element_type3A_652 : vector<256xi32> to vector<256xf32>
    %add3A_654 = arith.addf %add3A_650, %convert_element_type3A_653 : vector<256xf32>
    %eq3A_655 = arith.cmpf oeq, %reduce_sum3A_294, %reduce_sum3A_398 : vector<256xf32>
    %convert_element_type3A_656 = arith.extui %eq3A_655 : vector<256xi1> to vector<256xi32>
    %convert_element_type3A_657 = arith.sitofp %convert_element_type3A_656 : vector<256xi32> to vector<256xf32>
    %add3A_658 = arith.addf %add3A_654, %convert_element_type3A_657 : vector<256xf32>
    %eq3A_659 = arith.cmpf oeq, %reduce_sum3A_294, %reduce_sum3A_450 : vector<256xf32>
    %convert_element_type3A_660 = arith.extui %eq3A_659 : vector<256xi1> to vector<256xi32>
    %convert_element_type3A_661 = arith.sitofp %convert_element_type3A_660 : vector<256xi32> to vector<256xf32>
    %add3A_662 = arith.addf %add3A_658, %convert_element_type3A_661 : vector<256xf32>
    %eq3A_663 = arith.cmpf oeq, %reduce_sum3A_294, %reduce_sum3A_502 : vector<256xf32>
    %convert_element_type3A_664 = arith.extui %eq3A_663 : vector<256xi1> to vector<256xi32>
    %convert_element_type3A_665 = arith.sitofp %convert_element_type3A_664 : vector<256xi32> to vector<256xf32>
    %add3A_666 = arith.addf %add3A_662, %convert_element_type3A_665 : vector<256xf32>
    %eq3A_667 = arith.cmpf oeq, %reduce_sum3A_294, %reduce_sum3A_554 : vector<256xf32>
    %convert_element_type3A_668 = arith.extui %eq3A_667 : vector<256xi1> to vector<256xi32>
    %convert_element_type3A_669 = arith.sitofp %convert_element_type3A_668 : vector<256xi32> to vector<256xf32>
    %add3A_670 = arith.addf %add3A_666, %convert_element_type3A_669 : vector<256xf32>
    %eq3A_671 = arith.cmpf oeq, %reduce_sum3A_294, %reduce_sum3A_606 : vector<256xf32>
    %convert_element_type3A_672 = arith.extui %eq3A_671 : vector<256xi1> to vector<256xi32>
    %convert_element_type3A_673 = arith.sitofp %convert_element_type3A_672 : vector<256xi32> to vector<256xf32>
    %add3A_674 = arith.addf %add3A_670, %convert_element_type3A_673 : vector<256xf32>
    %broadcast_in_dim3A_675 = arith.constant 0.000000e+00 : f32
    %broadcast_in_dim3A_676 = vector.broadcast %broadcast_in_dim3A_675 : f32 to vector<256xf32>
    %eq3A_677 = arith.cmpf oeq, %reduce_sum3A_346, %reduce_sum3A_242 : vector<256xf32>
    %convert_element_type3A_678 = arith.extui %eq3A_677 : vector<256xi1> to vector<256xi32>
    %convert_element_type3A_679 = arith.sitofp %convert_element_type3A_678 : vector<256xi32> to vector<256xf32>
    %add3A_680 = arith.addf %broadcast_in_dim3A_676, %convert_element_type3A_679 : vector<256xf32>
    %eq3A_681 = arith.cmpf oeq, %reduce_sum3A_346, %reduce_sum3A_294 : vector<256xf32>
    %convert_element_type3A_682 = arith.extui %eq3A_681 : vector<256xi1> to vector<256xi32>
    %convert_element_type3A_683 = arith.sitofp %convert_element_type3A_682 : vector<256xi32> to vector<256xf32>
    %add3A_684 = arith.addf %add3A_680, %convert_element_type3A_683 : vector<256xf32>
    %eq3A_685 = arith.cmpf oeq, %reduce_sum3A_346, %reduce_sum3A_346 : vector<256xf32>
    %convert_element_type3A_686 = arith.extui %eq3A_685 : vector<256xi1> to vector<256xi32>
    %convert_element_type3A_687 = arith.sitofp %convert_element_type3A_686 : vector<256xi32> to vector<256xf32>
    %add3A_688 = arith.addf %add3A_684, %convert_element_type3A_687 : vector<256xf32>
    %eq3A_689 = arith.cmpf oeq, %reduce_sum3A_346, %reduce_sum3A_398 : vector<256xf32>
    %convert_element_type3A_690 = arith.extui %eq3A_689 : vector<256xi1> to vector<256xi32>
    %convert_element_type3A_691 = arith.sitofp %convert_element_type3A_690 : vector<256xi32> to vector<256xf32>
    %add3A_692 = arith.addf %add3A_688, %convert_element_type3A_691 : vector<256xf32>
    %eq3A_693 = arith.cmpf oeq, %reduce_sum3A_346, %reduce_sum3A_450 : vector<256xf32>
    %convert_element_type3A_694 = arith.extui %eq3A_693 : vector<256xi1> to vector<256xi32>
    %convert_element_type3A_695 = arith.sitofp %convert_element_type3A_694 : vector<256xi32> to vector<256xf32>
    %add3A_696 = arith.addf %add3A_692, %convert_element_type3A_695 : vector<256xf32>
    %eq3A_697 = arith.cmpf oeq, %reduce_sum3A_346, %reduce_sum3A_502 : vector<256xf32>
    %convert_element_type3A_698 = arith.extui %eq3A_697 : vector<256xi1> to vector<256xi32>
    %convert_element_type3A_699 = arith.sitofp %convert_element_type3A_698 : vector<256xi32> to vector<256xf32>
    %add3A_700 = arith.addf %add3A_696, %convert_element_type3A_699 : vector<256xf32>
    %eq3A_701 = arith.cmpf oeq, %reduce_sum3A_346, %reduce_sum3A_554 : vector<256xf32>
    %convert_element_type3A_702 = arith.extui %eq3A_701 : vector<256xi1> to vector<256xi32>
    %convert_element_type3A_703 = arith.sitofp %convert_element_type3A_702 : vector<256xi32> to vector<256xf32>
    %add3A_704 = arith.addf %add3A_700, %convert_element_type3A_703 : vector<256xf32>
    %eq3A_705 = arith.cmpf oeq, %reduce_sum3A_346, %reduce_sum3A_606 : vector<256xf32>
    %convert_element_type3A_706 = arith.extui %eq3A_705 : vector<256xi1> to vector<256xi32>
    %convert_element_type3A_707 = arith.sitofp %convert_element_type3A_706 : vector<256xi32> to vector<256xf32>
    %add3A_708 = arith.addf %add3A_704, %convert_element_type3A_707 : vector<256xf32>
    %broadcast_in_dim3A_709 = arith.constant 0.000000e+00 : f32
    %broadcast_in_dim3A_710 = vector.broadcast %broadcast_in_dim3A_709 : f32 to vector<256xf32>
    %eq3A_711 = arith.cmpf oeq, %reduce_sum3A_398, %reduce_sum3A_242 : vector<256xf32>
    %convert_element_type3A_712 = arith.extui %eq3A_711 : vector<256xi1> to vector<256xi32>
    %convert_element_type3A_713 = arith.sitofp %convert_element_type3A_712 : vector<256xi32> to vector<256xf32>
    %add3A_714 = arith.addf %broadcast_in_dim3A_710, %convert_element_type3A_713 : vector<256xf32>
    %eq3A_715 = arith.cmpf oeq, %reduce_sum3A_398, %reduce_sum3A_294 : vector<256xf32>
    %convert_element_type3A_716 = arith.extui %eq3A_715 : vector<256xi1> to vector<256xi32>
    %convert_element_type3A_717 = arith.sitofp %convert_element_type3A_716 : vector<256xi32> to vector<256xf32>
    %add3A_718 = arith.addf %add3A_714, %convert_element_type3A_717 : vector<256xf32>
    %eq3A_719 = arith.cmpf oeq, %reduce_sum3A_398, %reduce_sum3A_346 : vector<256xf32>
    %convert_element_type3A_720 = arith.extui %eq3A_719 : vector<256xi1> to vector<256xi32>
    %convert_element_type3A_721 = arith.sitofp %convert_element_type3A_720 : vector<256xi32> to vector<256xf32>
    %add3A_722 = arith.addf %add3A_718, %convert_element_type3A_721 : vector<256xf32>
    %eq3A_723 = arith.cmpf oeq, %reduce_sum3A_398, %reduce_sum3A_398 : vector<256xf32>
    %convert_element_type3A_724 = arith.extui %eq3A_723 : vector<256xi1> to vector<256xi32>
    %convert_element_type3A_725 = arith.sitofp %convert_element_type3A_724 : vector<256xi32> to vector<256xf32>
    %add3A_726 = arith.addf %add3A_722, %convert_element_type3A_725 : vector<256xf32>
    %eq3A_727 = arith.cmpf oeq, %reduce_sum3A_398, %reduce_sum3A_450 : vector<256xf32>
    %convert_element_type3A_728 = arith.extui %eq3A_727 : vector<256xi1> to vector<256xi32>
    %convert_element_type3A_729 = arith.sitofp %convert_element_type3A_728 : vector<256xi32> to vector<256xf32>
    %add3A_730 = arith.addf %add3A_726, %convert_element_type3A_729 : vector<256xf32>
    %eq3A_731 = arith.cmpf oeq, %reduce_sum3A_398, %reduce_sum3A_502 : vector<256xf32>
    %convert_element_type3A_732 = arith.extui %eq3A_731 : vector<256xi1> to vector<256xi32>
    %convert_element_type3A_733 = arith.sitofp %convert_element_type3A_732 : vector<256xi32> to vector<256xf32>
    %add3A_734 = arith.addf %add3A_730, %convert_element_type3A_733 : vector<256xf32>
    %eq3A_735 = arith.cmpf oeq, %reduce_sum3A_398, %reduce_sum3A_554 : vector<256xf32>
    %convert_element_type3A_736 = arith.extui %eq3A_735 : vector<256xi1> to vector<256xi32>
    %convert_element_type3A_737 = arith.sitofp %convert_element_type3A_736 : vector<256xi32> to vector<256xf32>
    %add3A_738 = arith.addf %add3A_734, %convert_element_type3A_737 : vector<256xf32>
    %eq3A_739 = arith.cmpf oeq, %reduce_sum3A_398, %reduce_sum3A_606 : vector<256xf32>
    %convert_element_type3A_740 = arith.extui %eq3A_739 : vector<256xi1> to vector<256xi32>
    %convert_element_type3A_741 = arith.sitofp %convert_element_type3A_740 : vector<256xi32> to vector<256xf32>
    %add3A_742 = arith.addf %add3A_738, %convert_element_type3A_741 : vector<256xf32>
    %broadcast_in_dim3A_743 = arith.constant 0.000000e+00 : f32
    %broadcast_in_dim3A_744 = vector.broadcast %broadcast_in_dim3A_743 : f32 to vector<256xf32>
    %eq3A_745 = arith.cmpf oeq, %reduce_sum3A_450, %reduce_sum3A_242 : vector<256xf32>
    %convert_element_type3A_746 = arith.extui %eq3A_745 : vector<256xi1> to vector<256xi32>
    %convert_element_type3A_747 = arith.sitofp %convert_element_type3A_746 : vector<256xi32> to vector<256xf32>
    %add3A_748 = arith.addf %broadcast_in_dim3A_744, %convert_element_type3A_747 : vector<256xf32>
    %eq3A_749 = arith.cmpf oeq, %reduce_sum3A_450, %reduce_sum3A_294 : vector<256xf32>
    %convert_element_type3A_750 = arith.extui %eq3A_749 : vector<256xi1> to vector<256xi32>
    %convert_element_type3A_751 = arith.sitofp %convert_element_type3A_750 : vector<256xi32> to vector<256xf32>
    %add3A_752 = arith.addf %add3A_748, %convert_element_type3A_751 : vector<256xf32>
    %eq3A_753 = arith.cmpf oeq, %reduce_sum3A_450, %reduce_sum3A_346 : vector<256xf32>
    %convert_element_type3A_754 = arith.extui %eq3A_753 : vector<256xi1> to vector<256xi32>
    %convert_element_type3A_755 = arith.sitofp %convert_element_type3A_754 : vector<256xi32> to vector<256xf32>
    %add3A_756 = arith.addf %add3A_752, %convert_element_type3A_755 : vector<256xf32>
    %eq3A_757 = arith.cmpf oeq, %reduce_sum3A_450, %reduce_sum3A_398 : vector<256xf32>
    %convert_element_type3A_758 = arith.extui %eq3A_757 : vector<256xi1> to vector<256xi32>
    %convert_element_type3A_759 = arith.sitofp %convert_element_type3A_758 : vector<256xi32> to vector<256xf32>
    %add3A_760 = arith.addf %add3A_756, %convert_element_type3A_759 : vector<256xf32>
    %eq3A_761 = arith.cmpf oeq, %reduce_sum3A_450, %reduce_sum3A_450 : vector<256xf32>
    %convert_element_type3A_762 = arith.extui %eq3A_761 : vector<256xi1> to vector<256xi32>
    %convert_element_type3A_763 = arith.sitofp %convert_element_type3A_762 : vector<256xi32> to vector<256xf32>
    %add3A_764 = arith.addf %add3A_760, %convert_element_type3A_763 : vector<256xf32>
    %eq3A_765 = arith.cmpf oeq, %reduce_sum3A_450, %reduce_sum3A_502 : vector<256xf32>
    %convert_element_type3A_766 = arith.extui %eq3A_765 : vector<256xi1> to vector<256xi32>
    %convert_element_type3A_767 = arith.sitofp %convert_element_type3A_766 : vector<256xi32> to vector<256xf32>
    %add3A_768 = arith.addf %add3A_764, %convert_element_type3A_767 : vector<256xf32>
    %eq3A_769 = arith.cmpf oeq, %reduce_sum3A_450, %reduce_sum3A_554 : vector<256xf32>
    %convert_element_type3A_770 = arith.extui %eq3A_769 : vector<256xi1> to vector<256xi32>
    %convert_element_type3A_771 = arith.sitofp %convert_element_type3A_770 : vector<256xi32> to vector<256xf32>
    %add3A_772 = arith.addf %add3A_768, %convert_element_type3A_771 : vector<256xf32>
    %eq3A_773 = arith.cmpf oeq, %reduce_sum3A_450, %reduce_sum3A_606 : vector<256xf32>
    %convert_element_type3A_774 = arith.extui %eq3A_773 : vector<256xi1> to vector<256xi32>
    %convert_element_type3A_775 = arith.sitofp %convert_element_type3A_774 : vector<256xi32> to vector<256xf32>
    %add3A_776 = arith.addf %add3A_772, %convert_element_type3A_775 : vector<256xf32>
    %broadcast_in_dim3A_777 = arith.constant 0.000000e+00 : f32
    %broadcast_in_dim3A_778 = vector.broadcast %broadcast_in_dim3A_777 : f32 to vector<256xf32>
    %eq3A_779 = arith.cmpf oeq, %reduce_sum3A_502, %reduce_sum3A_242 : vector<256xf32>
    %convert_element_type3A_780 = arith.extui %eq3A_779 : vector<256xi1> to vector<256xi32>
    %convert_element_type3A_781 = arith.sitofp %convert_element_type3A_780 : vector<256xi32> to vector<256xf32>
    %add3A_782 = arith.addf %broadcast_in_dim3A_778, %convert_element_type3A_781 : vector<256xf32>
    %eq3A_783 = arith.cmpf oeq, %reduce_sum3A_502, %reduce_sum3A_294 : vector<256xf32>
    %convert_element_type3A_784 = arith.extui %eq3A_783 : vector<256xi1> to vector<256xi32>
    %convert_element_type3A_785 = arith.sitofp %convert_element_type3A_784 : vector<256xi32> to vector<256xf32>
    %add3A_786 = arith.addf %add3A_782, %convert_element_type3A_785 : vector<256xf32>
    %eq3A_787 = arith.cmpf oeq, %reduce_sum3A_502, %reduce_sum3A_346 : vector<256xf32>
    %convert_element_type3A_788 = arith.extui %eq3A_787 : vector<256xi1> to vector<256xi32>
    %convert_element_type3A_789 = arith.sitofp %convert_element_type3A_788 : vector<256xi32> to vector<256xf32>
    %add3A_790 = arith.addf %add3A_786, %convert_element_type3A_789 : vector<256xf32>
    %eq3A_791 = arith.cmpf oeq, %reduce_sum3A_502, %reduce_sum3A_398 : vector<256xf32>
    %convert_element_type3A_792 = arith.extui %eq3A_791 : vector<256xi1> to vector<256xi32>
    %convert_element_type3A_793 = arith.sitofp %convert_element_type3A_792 : vector<256xi32> to vector<256xf32>
    %add3A_794 = arith.addf %add3A_790, %convert_element_type3A_793 : vector<256xf32>
    %eq3A_795 = arith.cmpf oeq, %reduce_sum3A_502, %reduce_sum3A_450 : vector<256xf32>
    %convert_element_type3A_796 = arith.extui %eq3A_795 : vector<256xi1> to vector<256xi32>
    %convert_element_type3A_797 = arith.sitofp %convert_element_type3A_796 : vector<256xi32> to vector<256xf32>
    %add3A_798 = arith.addf %add3A_794, %convert_element_type3A_797 : vector<256xf32>
    %eq3A_799 = arith.cmpf oeq, %reduce_sum3A_502, %reduce_sum3A_502 : vector<256xf32>
    %convert_element_type3A_800 = arith.extui %eq3A_799 : vector<256xi1> to vector<256xi32>
    %convert_element_type3A_801 = arith.sitofp %convert_element_type3A_800 : vector<256xi32> to vector<256xf32>
    %add3A_802 = arith.addf %add3A_798, %convert_element_type3A_801 : vector<256xf32>
    %eq3A_803 = arith.cmpf oeq, %reduce_sum3A_502, %reduce_sum3A_554 : vector<256xf32>
    %convert_element_type3A_804 = arith.extui %eq3A_803 : vector<256xi1> to vector<256xi32>
    %convert_element_type3A_805 = arith.sitofp %convert_element_type3A_804 : vector<256xi32> to vector<256xf32>
    %add3A_806 = arith.addf %add3A_802, %convert_element_type3A_805 : vector<256xf32>
    %eq3A_807 = arith.cmpf oeq, %reduce_sum3A_502, %reduce_sum3A_606 : vector<256xf32>
    %convert_element_type3A_808 = arith.extui %eq3A_807 : vector<256xi1> to vector<256xi32>
    %convert_element_type3A_809 = arith.sitofp %convert_element_type3A_808 : vector<256xi32> to vector<256xf32>
    %add3A_810 = arith.addf %add3A_806, %convert_element_type3A_809 : vector<256xf32>
    %broadcast_in_dim3A_811 = arith.constant 0.000000e+00 : f32
    %broadcast_in_dim3A_812 = vector.broadcast %broadcast_in_dim3A_811 : f32 to vector<256xf32>
    %eq3A_813 = arith.cmpf oeq, %reduce_sum3A_554, %reduce_sum3A_242 : vector<256xf32>
    %convert_element_type3A_814 = arith.extui %eq3A_813 : vector<256xi1> to vector<256xi32>
    %convert_element_type3A_815 = arith.sitofp %convert_element_type3A_814 : vector<256xi32> to vector<256xf32>
    %add3A_816 = arith.addf %broadcast_in_dim3A_812, %convert_element_type3A_815 : vector<256xf32>
    %eq3A_817 = arith.cmpf oeq, %reduce_sum3A_554, %reduce_sum3A_294 : vector<256xf32>
    %convert_element_type3A_818 = arith.extui %eq3A_817 : vector<256xi1> to vector<256xi32>
    %convert_element_type3A_819 = arith.sitofp %convert_element_type3A_818 : vector<256xi32> to vector<256xf32>
    %add3A_820 = arith.addf %add3A_816, %convert_element_type3A_819 : vector<256xf32>
    %eq3A_821 = arith.cmpf oeq, %reduce_sum3A_554, %reduce_sum3A_346 : vector<256xf32>
    %convert_element_type3A_822 = arith.extui %eq3A_821 : vector<256xi1> to vector<256xi32>
    %convert_element_type3A_823 = arith.sitofp %convert_element_type3A_822 : vector<256xi32> to vector<256xf32>
    %add3A_824 = arith.addf %add3A_820, %convert_element_type3A_823 : vector<256xf32>
    %eq3A_825 = arith.cmpf oeq, %reduce_sum3A_554, %reduce_sum3A_398 : vector<256xf32>
    %convert_element_type3A_826 = arith.extui %eq3A_825 : vector<256xi1> to vector<256xi32>
    %convert_element_type3A_827 = arith.sitofp %convert_element_type3A_826 : vector<256xi32> to vector<256xf32>
    %add3A_828 = arith.addf %add3A_824, %convert_element_type3A_827 : vector<256xf32>
    %eq3A_829 = arith.cmpf oeq, %reduce_sum3A_554, %reduce_sum3A_450 : vector<256xf32>
    %convert_element_type3A_830 = arith.extui %eq3A_829 : vector<256xi1> to vector<256xi32>
    %convert_element_type3A_831 = arith.sitofp %convert_element_type3A_830 : vector<256xi32> to vector<256xf32>
    %add3A_832 = arith.addf %add3A_828, %convert_element_type3A_831 : vector<256xf32>
    %eq3A_833 = arith.cmpf oeq, %reduce_sum3A_554, %reduce_sum3A_502 : vector<256xf32>
    %convert_element_type3A_834 = arith.extui %eq3A_833 : vector<256xi1> to vector<256xi32>
    %convert_element_type3A_835 = arith.sitofp %convert_element_type3A_834 : vector<256xi32> to vector<256xf32>
    %add3A_836 = arith.addf %add3A_832, %convert_element_type3A_835 : vector<256xf32>
    %eq3A_837 = arith.cmpf oeq, %reduce_sum3A_554, %reduce_sum3A_554 : vector<256xf32>
    %convert_element_type3A_838 = arith.extui %eq3A_837 : vector<256xi1> to vector<256xi32>
    %convert_element_type3A_839 = arith.sitofp %convert_element_type3A_838 : vector<256xi32> to vector<256xf32>
    %add3A_840 = arith.addf %add3A_836, %convert_element_type3A_839 : vector<256xf32>
    %eq3A_841 = arith.cmpf oeq, %reduce_sum3A_554, %reduce_sum3A_606 : vector<256xf32>
    %convert_element_type3A_842 = arith.extui %eq3A_841 : vector<256xi1> to vector<256xi32>
    %convert_element_type3A_843 = arith.sitofp %convert_element_type3A_842 : vector<256xi32> to vector<256xf32>
    %add3A_844 = arith.addf %add3A_840, %convert_element_type3A_843 : vector<256xf32>
    %broadcast_in_dim3A_845 = arith.constant 0.000000e+00 : f32
    %broadcast_in_dim3A_846 = vector.broadcast %broadcast_in_dim3A_845 : f32 to vector<256xf32>
    %eq3A_847 = arith.cmpf oeq, %reduce_sum3A_606, %reduce_sum3A_242 : vector<256xf32>
    %convert_element_type3A_848 = arith.extui %eq3A_847 : vector<256xi1> to vector<256xi32>
    %convert_element_type3A_849 = arith.sitofp %convert_element_type3A_848 : vector<256xi32> to vector<256xf32>
    %add3A_850 = arith.addf %broadcast_in_dim3A_846, %convert_element_type3A_849 : vector<256xf32>
    %eq3A_851 = arith.cmpf oeq, %reduce_sum3A_606, %reduce_sum3A_294 : vector<256xf32>
    %convert_element_type3A_852 = arith.extui %eq3A_851 : vector<256xi1> to vector<256xi32>
    %convert_element_type3A_853 = arith.sitofp %convert_element_type3A_852 : vector<256xi32> to vector<256xf32>
    %add3A_854 = arith.addf %add3A_850, %convert_element_type3A_853 : vector<256xf32>
    %eq3A_855 = arith.cmpf oeq, %reduce_sum3A_606, %reduce_sum3A_346 : vector<256xf32>
    %convert_element_type3A_856 = arith.extui %eq3A_855 : vector<256xi1> to vector<256xi32>
    %convert_element_type3A_857 = arith.sitofp %convert_element_type3A_856 : vector<256xi32> to vector<256xf32>
    %add3A_858 = arith.addf %add3A_854, %convert_element_type3A_857 : vector<256xf32>
    %eq3A_859 = arith.cmpf oeq, %reduce_sum3A_606, %reduce_sum3A_398 : vector<256xf32>
    %convert_element_type3A_860 = arith.extui %eq3A_859 : vector<256xi1> to vector<256xi32>
    %convert_element_type3A_861 = arith.sitofp %convert_element_type3A_860 : vector<256xi32> to vector<256xf32>
    %add3A_862 = arith.addf %add3A_858, %convert_element_type3A_861 : vector<256xf32>
    %eq3A_863 = arith.cmpf oeq, %reduce_sum3A_606, %reduce_sum3A_450 : vector<256xf32>
    %convert_element_type3A_864 = arith.extui %eq3A_863 : vector<256xi1> to vector<256xi32>
    %convert_element_type3A_865 = arith.sitofp %convert_element_type3A_864 : vector<256xi32> to vector<256xf32>
    %add3A_866 = arith.addf %add3A_862, %convert_element_type3A_865 : vector<256xf32>
    %eq3A_867 = arith.cmpf oeq, %reduce_sum3A_606, %reduce_sum3A_502 : vector<256xf32>
    %convert_element_type3A_868 = arith.extui %eq3A_867 : vector<256xi1> to vector<256xi32>
    %convert_element_type3A_869 = arith.sitofp %convert_element_type3A_868 : vector<256xi32> to vector<256xf32>
    %add3A_870 = arith.addf %add3A_866, %convert_element_type3A_869 : vector<256xf32>
    %eq3A_871 = arith.cmpf oeq, %reduce_sum3A_606, %reduce_sum3A_554 : vector<256xf32>
    %convert_element_type3A_872 = arith.extui %eq3A_871 : vector<256xi1> to vector<256xi32>
    %convert_element_type3A_873 = arith.sitofp %convert_element_type3A_872 : vector<256xi32> to vector<256xf32>
    %add3A_874 = arith.addf %add3A_870, %convert_element_type3A_873 : vector<256xf32>
    %eq3A_875 = arith.cmpf oeq, %reduce_sum3A_606, %reduce_sum3A_606 : vector<256xf32>
    %convert_element_type3A_876 = arith.extui %eq3A_875 : vector<256xi1> to vector<256xi32>
    %convert_element_type3A_877 = arith.sitofp %convert_element_type3A_876 : vector<256xi32> to vector<256xf32>
    %add3A_878 = arith.addf %add3A_874, %convert_element_type3A_877 : vector<256xf32>
    %mul3A_879 = arith.constant 1.024000e+03 : f32
    %mul3A_880 = vector.broadcast %mul3A_879 : f32 to vector<256xf32>
    %mul3A_881 = arith.mulf %add3A_640, %mul3A_880 : vector<256xf32>
    %sub3A_882 = arith.subf %mul3A_881, %reduce_sum3A_242 : vector<256xf32>
    %mul3A_883 = arith.constant 1.024000e+03 : f32
    %mul3A_884 = vector.broadcast %mul3A_883 : f32 to vector<256xf32>
    %mul3A_885 = arith.mulf %add3A_674, %mul3A_884 : vector<256xf32>
    %sub3A_886 = arith.subf %mul3A_885, %reduce_sum3A_294 : vector<256xf32>
    %mul3A_887 = arith.constant 1.024000e+03 : f32
    %mul3A_888 = vector.broadcast %mul3A_887 : f32 to vector<256xf32>
    %mul3A_889 = arith.mulf %add3A_708, %mul3A_888 : vector<256xf32>
    %sub3A_890 = arith.subf %mul3A_889, %reduce_sum3A_346 : vector<256xf32>
    %mul3A_891 = arith.constant 1.024000e+03 : f32
    %mul3A_892 = vector.broadcast %mul3A_891 : f32 to vector<256xf32>
    %mul3A_893 = arith.mulf %add3A_742, %mul3A_892 : vector<256xf32>
    %sub3A_894 = arith.subf %mul3A_893, %reduce_sum3A_398 : vector<256xf32>
    %mul3A_895 = arith.constant 1.024000e+03 : f32
    %mul3A_896 = vector.broadcast %mul3A_895 : f32 to vector<256xf32>
    %mul3A_897 = arith.mulf %add3A_776, %mul3A_896 : vector<256xf32>
    %sub3A_898 = arith.subf %mul3A_897, %reduce_sum3A_450 : vector<256xf32>
    %mul3A_899 = arith.constant 1.024000e+03 : f32
    %mul3A_900 = vector.broadcast %mul3A_899 : f32 to vector<256xf32>
    %mul3A_901 = arith.mulf %add3A_810, %mul3A_900 : vector<256xf32>
    %sub3A_902 = arith.subf %mul3A_901, %reduce_sum3A_502 : vector<256xf32>
    %mul3A_903 = arith.constant 1.024000e+03 : f32
    %mul3A_904 = vector.broadcast %mul3A_903 : f32 to vector<256xf32>
    %mul3A_905 = arith.mulf %add3A_844, %mul3A_904 : vector<256xf32>
    %sub3A_906 = arith.subf %mul3A_905, %reduce_sum3A_554 : vector<256xf32>
    %mul3A_907 = arith.constant 1.024000e+03 : f32
    %mul3A_908 = vector.broadcast %mul3A_907 : f32 to vector<256xf32>
    %mul3A_909 = arith.mulf %add3A_878, %mul3A_908 : vector<256xf32>
    %sub3A_910 = arith.subf %mul3A_909, %reduce_sum3A_606 : vector<256xf32>
    %max3A = arith.maximumf %sub3A_882, %sub3A_886 : vector<256xf32>
    %max3A_911 = arith.maximumf %max3A, %sub3A_890 : vector<256xf32>
    %max3A_912 = arith.maximumf %max3A_911, %sub3A_894 : vector<256xf32>
    %max3A_913 = arith.maximumf %max3A_912, %sub3A_898 : vector<256xf32>
    %max3A_914 = arith.maximumf %max3A_913, %sub3A_902 : vector<256xf32>
    %max3A_915 = arith.maximumf %max3A_914, %sub3A_906 : vector<256xf32>
    %max3A_916 = arith.maximumf %max3A_915, %sub3A_910 : vector<256xf32>
    %broadcast_in_dim3A_917 = arith.constant 1.000000e+09 : f32
    %broadcast_in_dim3A_918 = vector.broadcast %broadcast_in_dim3A_917 : f32 to vector<256xf32>
    %eq3A_919 = arith.cmpf oeq, %sub3A_882, %max3A_916 : vector<256xf32>
    %jit3A_920 = arith.constant 1.000000e+09 : f32
    %broadcast_in_dim3A_921 = vector.broadcast %jit3A_920 : f32 to vector<256xf32>
    %select_n3A_922 = arith.select %eq3A_919, %reduce_sum3A_242, %broadcast_in_dim3A_921 : vector<256xi1>, vector<256xf32>
    %min3A = arith.minimumf %broadcast_in_dim3A_918, %select_n3A_922 : vector<256xf32>
    %eq3A_923 = arith.cmpf oeq, %sub3A_886, %max3A_916 : vector<256xf32>
    %jit3A_924 = arith.constant 1.000000e+09 : f32
    %broadcast_in_dim3A_925 = vector.broadcast %jit3A_924 : f32 to vector<256xf32>
    %select_n3A_926 = arith.select %eq3A_923, %reduce_sum3A_294, %broadcast_in_dim3A_925 : vector<256xi1>, vector<256xf32>
    %min3A_927 = arith.minimumf %min3A, %select_n3A_926 : vector<256xf32>
    %eq3A_928 = arith.cmpf oeq, %sub3A_890, %max3A_916 : vector<256xf32>
    %jit3A_929 = arith.constant 1.000000e+09 : f32
    %broadcast_in_dim3A_930 = vector.broadcast %jit3A_929 : f32 to vector<256xf32>
    %select_n3A_931 = arith.select %eq3A_928, %reduce_sum3A_346, %broadcast_in_dim3A_930 : vector<256xi1>, vector<256xf32>
    %min3A_932 = arith.minimumf %min3A_927, %select_n3A_931 : vector<256xf32>
    %eq3A_933 = arith.cmpf oeq, %sub3A_894, %max3A_916 : vector<256xf32>
    %jit3A_934 = arith.constant 1.000000e+09 : f32
    %broadcast_in_dim3A_935 = vector.broadcast %jit3A_934 : f32 to vector<256xf32>
    %select_n3A_936 = arith.select %eq3A_933, %reduce_sum3A_398, %broadcast_in_dim3A_935 : vector<256xi1>, vector<256xf32>
    %min3A_937 = arith.minimumf %min3A_932, %select_n3A_936 : vector<256xf32>
    %eq3A_938 = arith.cmpf oeq, %sub3A_898, %max3A_916 : vector<256xf32>
    %jit3A_939 = arith.constant 1.000000e+09 : f32
    %broadcast_in_dim3A_940 = vector.broadcast %jit3A_939 : f32 to vector<256xf32>
    %select_n3A_941 = arith.select %eq3A_938, %reduce_sum3A_450, %broadcast_in_dim3A_940 : vector<256xi1>, vector<256xf32>
    %min3A_942 = arith.minimumf %min3A_937, %select_n3A_941 : vector<256xf32>
    %eq3A_943 = arith.cmpf oeq, %sub3A_902, %max3A_916 : vector<256xf32>
    %jit3A_944 = arith.constant 1.000000e+09 : f32
    %broadcast_in_dim3A_945 = vector.broadcast %jit3A_944 : f32 to vector<256xf32>
    %select_n3A_946 = arith.select %eq3A_943, %reduce_sum3A_502, %broadcast_in_dim3A_945 : vector<256xi1>, vector<256xf32>
    %min3A_947 = arith.minimumf %min3A_942, %select_n3A_946 : vector<256xf32>
    %eq3A_948 = arith.cmpf oeq, %sub3A_906, %max3A_916 : vector<256xf32>
    %jit3A_949 = arith.constant 1.000000e+09 : f32
    %broadcast_in_dim3A_950 = vector.broadcast %jit3A_949 : f32 to vector<256xf32>
    %select_n3A_951 = arith.select %eq3A_948, %reduce_sum3A_554, %broadcast_in_dim3A_950 : vector<256xi1>, vector<256xf32>
    %min3A_952 = arith.minimumf %min3A_947, %select_n3A_951 : vector<256xf32>
    %eq3A_953 = arith.cmpf oeq, %sub3A_910, %max3A_916 : vector<256xf32>
    %jit3A_954 = arith.constant 1.000000e+09 : f32
    %broadcast_in_dim3A_955 = vector.broadcast %jit3A_954 : f32 to vector<256xf32>
    %select_n3A_956 = arith.select %eq3A_953, %reduce_sum3A_606, %broadcast_in_dim3A_955 : vector<256xi1>, vector<256xf32>
    %min3A_957 = arith.minimumf %min3A_952, %select_n3A_956 : vector<256xf32>
    %convert_element_type3A_958 = arith.fptosi %min3A_957 : vector<256xf32> to vector<256xi32>
    %swap3A = arith.constant 0 : index
    %swap3A_959 = vector.load %arg4[%swap3A] : memref<256xi32, #tpu.memory_space<vmem>>, vector<256xi32>
    tpu.vector_store %arg4[%swap3A], %convert_element_type3A_958 {strides = array<i32>} : memref<256xi32, #tpu.memory_space<vmem>>, vector<256xi32>,
    return
  }
  func.func @transform_0(%arg0: i32) -> (i32, i32, i32) {
    %c0_i32 = arith.constant 0 : i32
    %c0_i32_0 = arith.constant 0 : i32
    %c0_i32_1 = arith.constant 0 : i32
    return %c0_i32, %arg0, %c0_i32_0 : i32, i32, i32
  }
  func.func @transform_1(%arg0: i32) -> (i32, i32) {
    %c0_i32 = arith.constant 0 : i32
    %c0_i32_0 = arith.constant 0 : i32
    return %c0_i32, %arg0 : i32, i32
  }
  func.func @transform_2(%arg0: i32) -> (i32, i32) {
    %c0_i32 = arith.constant 0 : i32
    %c0_i32_0 = arith.constant 0 : i32
    %c0_i32_1 = arith.constant 0 : i32
    return %c0_i32, %c0_i32_0 : i32, i32
  }
  func.func @transform_3(%arg0: i32) -> i32 {
    %c0_i32 = arith.constant 0 : i32
    return %arg0 : i32
  }
}

</mosaic_0001>

<sc_bundles>
// kernel: kernel.6.cloned.1.call-start
scs
__scs_entry_jumppad:
0x0: {  	(pc) =	sbr.rel $0x88, $3  }
0x1: {  	(tag) =	ssettag $0x0;
	lr =	simm.s32 $0x1  }
0x2: {  	[smem:$0x3F9E] =	sst lr;
	_ =	strace $0xD0000000  }
0x3: {  	_ = 	snop  }
0x4: {  	_ = 	snop  }
0x5: {  	_ = 	snop  }
0x6: {  	_ = 	snop  }
0x7: {  	_ = 	snop  }
__scs_overlays_trampoline_lowered:
0x8: {  	[smem:$0x3FAD] =	sst s0  }
0x9: {  	[smem:$0x3FAE] =	sst s1  }
0xa: {  	[smem:$0x3FAF] =	sst s2  }
0xb: {  	[smem:$0x3FB0] =	sst s3  }
0xc: {  	[smem:$0x3FB1] =	sst s4  }
0xd: {  	[smem:$0x3FB2] =	sst s5  }
0xe: {  	[smem:$0x3FB3] =	sst s6  }
0xf: {  	[smem:$0x3FB4] =	sst s7  }
0x10: {  	[smem:$0x3FB5] =	sst s8  }
0x11: {  	[smem:$0x3FB6] =	sst s9;
	s0 =	simm.s32 @!p0 $0x0  }
0x12: {  	s1 =	sld [smem:$0x3F9C];
	s0 =	simm.s32 @p0 $0x1  }
0x13: {  	[smem:$0x3FB7] =	sst s0;
	s0 =	simm.s32 @!p1 $0x0  }
0x14: {  	s2 =	sld [smem:$0x3F9B];
	s0 =	simm.s32 @p1 $0x1  }
0x15: {  	[smem:$0x3FB8] =	sst s0;
	s0 =	simm.s32 @!p2 $0x0  }
0x16: {  	s3 =	sld [smem:$0x3FDB];
	s0 =	simm.s32 @p2 $0x1  }
0x17: {  	s4 =	simm.s32 $0x1BF5;
	[smem:$0x3FBA] =	sst s0  }
0x18: {  	s0 =	sld [smem:$0x3F9D];
	_ =	swait.ge [sflag:s4], $0x0  }
0x19: {  	s7 =	sld [smem:$0x3F9E]  }
0x1a: {  	s8 =	sadd.s32 $0xFFFFE003, lr  }
0x1b: {  	s9 =	sadd.s32 $0xFFFFFEF7, lr;
	s5 =	simm.s32 $0xFFFFFFFF;
	p2 =	slt.u32 s8, $0xFFFFF086  }
0x1c: {  	p1 =	slt.u32 s9, $0xF7A;
	s5 =	simm.s32 @!p2 $0x0  }
0x1d: {  	s5 =	simm.s32 @p1 $0x1;
	p0 =	seq.s32 s7, s2  }
0x1e: {  	s7 =	smul.u32 @!p0 $0xF7A, s2;
	p2 =	seq.s32 @!p0 s5, $0x0  }
0x1f: {  	s9 =	smul.u32 $0xF7A, s1;
	s8 =	simm.s32 @!p0 $0x1BF5;
	p2 =	por !p2, p0  }
0x20: {  	[sflag:s8] =	ssyncset.s32 @!p0 $0xFFFFF086;
	s6 =	sadd.s32 @!p0 s3, s7;
	s7 =	simm.s32 @!p0 $0x108  }
0x21: {  	s3 =	sadd.s32 s3, s9;
	s6 =	sadd.s32 @!p0 $0x88, s6;
	s7 =	simm.s32 @p2 $0x1082  }
0x22: {  	[simem:s7], [sflag:s8] =	dma.local @!p0 [hbm:s6], $0xF7A  }
0x23: {  	s9 =	sor.u32 $0xD0000000, s2;
	s6 =	simm.s32 $0x108;
	_ =	swait.ge @!p0 [sflag:s8], $0x0  }
0x24: {  	s3 =	sadd.s32 $0x88, s3;
	s6 =	simm.s32 @!p1 $0x1082;
	[sflag:s4] =	ssyncset.s32 $0xFFFFF086  }
0x25: {  	[simem:s6], [sflag:s4] =	dma.local [hbm:s3], $0xF7A  }
0x26: {  	[smem:$0x3F9E] =	sst s1;
	(tag) =	ssettag s2;
	_ =	strace s9  }
0x27: {  	s1 =	sld [smem:$0x3FAE]  }
0x28: {  	s2 =	sld [smem:$0x3FAF]  }
0x29: {  	s4 =	sld [smem:$0x3FB1]  }
0x2a: {  	p0 =	seq.s32 s5, $0x0;
	s5 =	sld [smem:$0x3FB2]  }
0x2b: {  	s6 =	sld [smem:$0x3FB3]  }
0x2c: {  	s7 =	sld [smem:$0x3FB4]  }
0x2d: {  	s3 =	simm.s32 $0x108;
	s8 =	sld [smem:$0x3FB5]  }
0x2e: {  	s3 =	simm.s32 @!p0 $0x1082;
	s9 =	sld [smem:$0x3FB6]  }
0x2f: {  	lr =	sadd.s32 s0, s3;
	s0 =	sld [smem:$0x3FAD]  }
0x30: {  	s3 =	sld [smem:$0x3FB0]  }
0x31: {  	[smem:$0x3FB9] =	sst s10  }
0x32: {  	s10 =	sld [smem:$0x3FB7];
	_ =	sdelay $0x3  }
0x33: {  	p0 =	seq.s32 s10, $0x1;
	s10 =	sld [smem:$0x3FB9];
	_ =	sdelay $0x3  }
0x34: {  	[smem:$0x3FB9] =	sst s10  }
0x35: {  	s10 =	sld [smem:$0x3FB8];
	_ =	sdelay $0x3  }
0x36: {  	p1 =	seq.s32 s10, $0x1;
	s10 =	sld [smem:$0x3FB9];
	_ =	sdelay $0x3  }
0x37: {  	[smem:$0x3FB9] =	sst s10  }
0x38: {  	s10 =	sld [smem:$0x3FBA]  }
0x39: {  	_ = 	snop;
	(pc) =	sbr.ind lr, $3  }
0x3a: {  	_ = 	snop  }
0x3b: {  	_ = 	snop  }
0x3c: {  	p2 =	seq.s32 s10, $0x1;
	s10 =	sld [smem:$0x3FB9]  }
0x3d: {  	_ =	shalt  }
0x3e: {  	_ =	shalt  }
0x3f: {  	_ =	shalt  }
0x40: {  	_ =	shalt  }
0x41: {  	_ =	shalt  }
0x42: {  	_ =	shalt  }
0x43: {  	_ =	shalt  }
0x44: {  	_ =	shalt  }
0x45: {  	_ =	shalt  }
0x46: {  	_ =	shalt  }
0x47: {  	_ =	shalt  }
0x48: {  	_ =	shalt  }
0x49: {  	_ =	shalt  }
0x4a: {  	_ =	shalt  }
0x4b: {  	_ =	shalt  }
0x4c: {  	_ =	shalt  }
0x4d: {  	_ =	shalt  }
0x4e: {  	_ =	shalt  }
0x4f: {  	_ =	shalt  }
0x50: {  	_ =	shalt  }
0x51: {  	_ =	shalt  }
0x52: {  	_ =	shalt  }
0x53: {  	_ =	shalt  }
0x54: {  	_ =	shalt  }
0x55: {  	_ =	shalt  }
0x56: {  	_ =	shalt  }
0x57: {  	_ =	shalt  }
0x58: {  	_ =	shalt  }
0x59: {  	_ =	shalt  }
0x5a: {  	_ =	shalt  }
0x5b: {  	_ =	shalt  }
0x5c: {  	_ =	shalt  }
0x5d: {  	_ =	shalt  }
0x5e: {  	_ =	shalt  }
0x5f: {  	_ =	shalt  }
0x60: {  	_ =	shalt  }
0x61: {  	_ =	shalt  }
0x62: {  	_ =	shalt  }
0x63: {  	_ =	shalt  }
0x64: {  	_ =	shalt  }
0x65: {  	_ =	shalt  }
0x66: {  	_ =	shalt  }
0x67: {  	_ =	shalt  }
0x68: {  	_ =	shalt  }
0x69: {  	_ =	shalt  }
0x6a: {  	_ =	shalt  }
0x6b: {  	_ =	shalt  }
0x6c: {  	_ =	shalt  }
0x6d: {  	_ =	shalt  }
0x6e: {  	_ =	shalt  }
0x6f: {  	_ =	shalt  }
0x70: {  	_ =	shalt  }
0x71: {  	_ =	shalt  }
0x72: {  	_ =	shalt  }
0x73: {  	_ =	shalt  }
0x74: {  	_ =	shalt  }
0x75: {  	_ =	shalt  }
0x76: {  	_ =	shalt  }
0x77: {  	_ =	shalt  }
0x78: {  	_ =	shalt  }
0x79: {  	_ =	shalt  }
0x7a: {  	_ =	shalt  }
0x7b: {  	_ =	shalt  }
0x7c: {  	_ =	shalt  }
0x7d: {  	_ =	shalt  }
0x7e: {  	_ =	shalt  }
0x7f: {  	_ =	shalt  }
0x80: {  	_ =	shalt  }
0x81: {  	_ =	shalt  }
0x82: {  	_ =	shalt  }
0x83: {  	_ =	shalt  }
0x84: {  	_ =	shalt  }
0x85: {  	_ =	shalt  }
0x86: {  	_ =	shalt  }
0x87: {  	_ =	shalt  }
.Lfunc_end0:
.L_simem_size_0:
called_computation_lowered:
.L_overlay_start_0:
0x88: {  	s2 =	sld [smem:$0x3FD9]  }
0x89: {  	s3 =	sld [smem:$0x3FFE];
	_ =	sdelay $0x1  }
0x8a: {  	s1 =	srdreg.scid  }
0x8b: {  	s0 =	sand.u32 $0x1, s1  }
0x8c: {  	s16 =	sshll.u32 s0, $0xA;
	s2 =	sadd.s32 s3, s2  }
0x8d: {  	s2 =	sadd.s32 s2, s16  }
0x8e: {  	[smem:$0x3FC5] =	sst s2  }
0x8f: {  	_ = 	snop  }
0x90: {  	(tm) =	ssettm $0x1  }
0x91: {  	s17 =	sld [smem:$0x3FFB];
	_ =	sdelay $0x3  }
0x92: {  	_ =	strace s17  }
0x93: {  	s2 =	sld [smem:$0x3FFC];
	_ =	sdelay $0x3  }
0x94: {  	_ =	strace s2  }
0x95: {  	s2 =	sld [smem:$0x3FFD];
	_ =	sdelay $0x3  }
0x96: {  	_ =	strace s2  }
0x97: {  	_ =	strace $0x8FFFFFFF  }
0x98: {  	s18 =	sld [smem:$0x3FDB];
	_ =	sdelay $0x1  }
0x99: {  	s19 =	simm.s32 $_scs_section_size  }
0x9a: {  	s4 =	simm.s32 $_size__tile_overlayer_lowered;
	s5 =	simm.s32 $_tile_overlayer_lowered  }
0x9b: {  	s22 =	simm.s32 $0x1BFF;
	s21 =	sshll.u32 s5, $0x1;
	s2 =	sadd.s32 s19, s18  }
0x9c: {  	s6 =	simm.s32 $0x0;
	s20 =	sshll.u32 s4, $0x1;
	s4 =	sadd.s32 s21, s2  }
0x9d: {  	[timem:s6], [sflag:s22] =	dma.local [hbm:s4], s20  }
0x9e: {  	_ =	swait.ge [sflag:s22], s20  }
0x9f: {  	s3 =	ssub.s32 $0x0, s20;
	[sflag:s22] =	ssyncset.done $0x0  }
0xa0: {  	[sflag:s22] =	ssyncadd.s32 s3;
	_ =	sdelay $0x1  }
0xa1: {  	s23 =	simm.s32 $0x1B8B  }
0xa2: {  	_ =	swait.ge [sflag:s23], $0x1  }
0xa3: {  	[sflag:s23] =	ssyncset.done $0x0  }
0xa4: {  	s25 =	simm.s32 $0x1B8E;
	s24 =	sld [smem:$0x3FFE];
	[sflag:s23] =	ssyncadd.s32 $0xFFFFFFFF  }
0xa5: {  	s26 =	simm.s32 $execute0_lowered;
	[smem:$0x3FD2] =	sst s25  }
0xa6: {  	s4 =	sshll.u32 s26, $0x1;
	_ =	strace $0x80000046;
	[dreg:$0x1] =	wrdreg $0xFFFFFFFF  }
0xa7: {  	s28 =	simm.s32 $_size_execute0_lowered;
	s2 =	sadd.s32 s2, s4;
	[dreg:$0x0] =	wrdreg $0x0  }
0xa8: {  	s4 =	sshll.u32 s28, $0x1;
	[dreg:$0x2] =	wrdreg s2  }
0xa9: {  	[dreg:$0x3] =	wrdreg s4  }
0xaa: {  	[dreg:$0x4] =	wrdreg $0xC0  }
0xab: {  	_ =	task [dreg:s6], $0x5FFFF  }
0xac: {  	[dreg:$0x1] =	wrdreg $0xFFFFFFFF  }
0xad: {  	[dreg:$0x0] =	wrdreg $0x60  }
0xae: {  	[dreg:$0x2] =	wrdreg s24  }
0xaf: {  	[dreg:$0x3] =	wrdreg $0x9  }
0xb0: {  	_ =	task.clear_ibuf [dreg:s6], $0x4FFFF;
	_ =	strace $0x90000046  }
0xb1: {  	s29 =	simm.s32 $0x9;
	_ =	strace $0x80000048  }
0xb2: {  	_ =	swait.ge [sflag:s29], $0x1  }
0xb3: {  	[sflag:s29] =	ssyncadd.s32 $0xFFFFFFFF  }
0xb4: {  	_ =	strace $0x90000048  }
0xb5: {  	_ =	sfence  }
0xb6: {  	s30 =	sld [smem:$0x0];
	_ =	sdelay $0x2  }
0xb7: {  	s31 =	sshll.u32 s1, $0xD;
	s1 =	sshrl.u32 s1, $0x2  }
0xb8: {  	s3 =	sand.u32 $0x4000, s31;
	s1 =	sadd.s32 s1, s30  }
0xb9: {  	s0 =	sor.u32 s3, s0;
	s1 =	sshll.u32 s1, $0x11  }
0xba: {  	s0 =	sor.u32 s1, s0  }
0xbb: {  	s0 =	sadd.s32 $0x8F2B, s0  }
0xbc: {  	[sflag:s0] =	ssyncadd.remote.s32 $0x1  }
0xbd: {  	_ =	sfence.sel $0xFFFF  }
0xbe: {  	[dreg:$0x0] =	wrdreg $0xFFFFFFFF;
	(pc) =	sbr.abs _section_cstart, $3  }
0xbf: {  	[dreg:$0x1] =	wrdreg $0xFFFFFFFF  }
0xc0: {  	_ =	task.clear_ibuf [dreg:s6], $0x2FFFF;
	_ =	strace $0x9FFFFFFF  }
0xc1: {  	(tm) =	ssettm $0x7FFFFFFF  }
tec
execute0_lowered:
.L_overlay_start_1:
0x0: {  	(tag) =	ssettag $0x1  }
0x1: {  	s1 =	srdreg.scid  }
0x2: {  	s0 =	stileid.u32;
	s16 =	sand.u32 $0x1, s1  }
0x3: {  	s1 =	sor.u32 s16, s0  }
0x4: {  	p1 =	seq.s32 s16, $0x1;
	p0 =	seq.s32 s1, $0x0  }
0x5: {  	p0 =	por !p0, !p1  }
0x6: {  	s1 =	simm.s32 $0x1;
	p0 =	por !p0, !p0  }
0x7: {  	s1 =	simm.s32 @!p0 $0x0  }
0x8: {  	s1 =	ssub.s32 s0, s1  }
0x9: {  	s8 =	rddreg [dreg:$0x0];
	s4 =	simm.s32 $0x80;
	s17 =	sshll.u32 s1, $0xC  }
0xa: {  	s2 =	sshll.u32 s16, $0xE;
	s1 =	sshll.u32 s1, $0x7;
	s14 =	sand.u32 $0xFFFF8000, s17  }
0xb: {  	s6 =	simm.s32 $0x400;
	s15 =	sand.u32 $0x380, s1;
	s3 =	sor.u32 s2, s14  }
0xc: {  	s5 =	simm.s32 $0x2;
	s2 =	simm.s32 $0x0;
	s3 =	sor.u32 s15, s3  }
0xd: {  	s19 =	sadd.s32 $0xE00, s8;
	[smem:$0x7FF] =	sst s2;
	s3 =	sshrl.u32 s3, $0x3  }
0xe: {  	s1 =	rddreg [dreg:$0x1];
	_ =	strace $0x80000047;
	s3 =	sadd.s32 s19, s3  }
0xf: {  	[tilespmem:s2], [sflag:$0x2] =	stream.strided.gather [hbm4b:s3+s4], $0x200, s6, s4, $0x38;
	[tilespmem:$0x10200] =	vst v63  }
0x10: {  	s9 =	simm.s32 $0x200;
	_ =	swait.ge [sflag:s5], $0x200  }
0x11: {  	s7 =	sadd.s32 $0x317E00, s8;
	s18 =	sadd.s32 $0x2E00, s8;
	[sflag:s5] =	ssyncset.done $0x0  }
0x12: {  	s8 =	simm.s32 $0x1;
	s20 =	sshll.u32 s16, $0xB;
	[sflag:s5] =	ssyncadd.s32 $0xFFFFFE00  }
0x13: {  	[tilespmem:s9], [sflag:$0x1] =	stream.indirect.gather [hbm4b:s7+s9], $0x80, s2, s9, $0xb8;
	[tilespmem:$0x10200] =	vst v63  }
0x14: {  	s12 =	sor.u32 $0x200, s20;
	s10 =	sor.u32 s20, s17;
	_ =	swait.ge [sflag:s8], $0x10000  }
0x15: {  	s11 =	sshll.u32 s12, $0x3;
	s10 =	sshll.u32 s10, $0x4;
	[sflag:s8] =	ssyncset.done $0x0  }
0x16: {  	s11 =	sor.u32 s11, s14;
	s10 =	sadd.s32 s18, s10;
	[sflag:s8] =	ssyncadd.s32 $0xFFFF0000  }
0x17: {  	[hbm4b:s10+s2] =	stream.linear.scatter [tilespmem:s9], [sflag:$0x2], $0x10000, $0x38;
	[tilespmem:$0x10200] =	vst v63  }
0x18: {  	s11 =	sor.u32 s15, s11;
	_ =	swait.ge [sflag:s5], $0x10000  }
0x19: {  	s11 =	sshrl.u32 s11, $0x3;
	[sflag:s5] =	ssyncset.done $0x0  }
0x1a: {  	s11 =	sadd.s32 s19, s11;
	[sflag:s5] =	ssyncadd.s32 $0xFFFF0000  }
0x1b: {  	[tilespmem:s2], [sflag:$0x2] =	stream.strided.gather [hbm4b:s11+s4], $0x200, s6, s4, $0x38;
	[tilespmem:$0x10200] =	vst v63  }
0x1c: {  	_ =	swait.ge [sflag:s5], $0x200  }
0x1d: {  	[sflag:s5] =	ssyncset.done $0x0  }
0x1e: {  	[sflag:s5] =	ssyncadd.s32 $0xFFFFFE00  }
0x1f: {  	[tilespmem:s9], [sflag:$0x1] =	stream.indirect.gather [hbm4b:s7+s9], $0x80, s2, s9, $0xb8;
	[tilespmem:$0x10200] =	vst v63  }
0x20: {  	s21 =	sor.u32 $0x400, s20;
	s12 =	sor.u32 s12, s17;
	_ =	swait.ge [sflag:s8], $0x10000  }
0x21: {  	s13 =	sshll.u32 s21, $0x3;
	s12 =	sshll.u32 s12, $0x4;
	[sflag:s8] =	ssyncset.done $0x0  }
0x22: {  	s13 =	sor.u32 s13, s14;
	s12 =	sadd.s32 s18, s12;
	[sflag:s8] =	ssyncadd.s32 $0xFFFF0000  }
0x23: {  	[hbm4b:s12+s2] =	stream.linear.scatter [tilespmem:s9], [sflag:$0x2], $0x10000, $0x38;
	[tilespmem:$0x10200] =	vst v63  }
0x24: {  	s13 =	sor.u32 s15, s13;
	_ =	swait.ge [sflag:s5], $0x10000  }
0x25: {  	s13 =	sshrl.u32 s13, $0x3;
	[sflag:s5] =	ssyncset.done $0x0  }
0x26: {  	s13 =	sadd.s32 s19, s13;
	[sflag:s5] =	ssyncadd.s32 $0xFFFF0000  }
0x27: {  	[tilespmem:s2], [sflag:$0x2] =	stream.strided.gather [hbm4b:s13+s4], $0x200, s6, s4, $0x38;
	[tilespmem:$0x10200] =	vst v63  }
0x28: {  	_ =	swait.ge [sflag:s5], $0x200  }
0x29: {  	[sflag:s5] =	ssyncset.done $0x0  }
0x2a: {  	[sflag:s5] =	ssyncadd.s32 $0xFFFFFE00  }
0x2b: {  	[tilespmem:s9], [sflag:$0x1] =	stream.indirect.gather [hbm4b:s7+s9], $0x80, s2, s9, $0xb8;
	[tilespmem:$0x10200] =	vst v63  }
0x2c: {  	s21 =	sor.u32 s21, s17;
	s20 =	sor.u32 $0x600, s20;
	_ =	swait.ge [sflag:s8], $0x10000  }
0x2d: {  	s21 =	sshll.u32 s21, $0x4;
	s22 =	sshll.u32 s20, $0x3;
	[sflag:s8] =	ssyncset.done $0x0  }
0x2e: {  	s22 =	sor.u32 s22, s14;
	s14 =	sadd.s32 s18, s21;
	[sflag:s8] =	ssyncadd.s32 $0xFFFF0000  }
0x2f: {  	[hbm4b:s14+s2] =	stream.linear.scatter [tilespmem:s9], [sflag:$0x2], $0x10000, $0x38;
	[tilespmem:$0x10200] =	vst v63  }
0x30: {  	s15 =	sor.u32 s15, s22;
	_ =	swait.ge [sflag:s5], $0x10000  }
0x31: {  	s15 =	sshrl.u32 s15, $0x3;
	[sflag:s5] =	ssyncset.done $0x0  }
0x32: {  	s16 =	ssub.s32 $0x2, s16;
	s15 =	sadd.s32 s19, s15;
	[sflag:s5] =	ssyncadd.s32 $0xFFFF0000  }
0x33: {  	[tilespmem:s2], [sflag:$0x2] =	stream.strided.gather [hbm4b:s15+s4], $0x200, s6, s4, $0x38;
	[tilespmem:$0x10200] =	vst v63  }
0x34: {  	s29 =	sshrl.u32 s16, $0x1;
	_ =	swait.ge [sflag:s5], $0x200  }
0x35: {  	s19 =	ssub.s32 s16, s29;
	[sflag:s5] =	ssyncset.done $0x0  }
0x36: {  	s31 =	smax.u32 s19, $0x1;
	[sflag:s5] =	ssyncadd.s32 $0xFFFFFE00  }
0x37: {  	[tilespmem:s9], [sflag:$0x1] =	stream.indirect.gather [hbm4b:s7+s9], $0x80, s2, s9, $0xb8;
	[tilespmem:$0x10200] =	vst v63  }
0x38: {  	s17 =	sor.u32 s20, s17;
	p0 =	sne.s32 s31, $0x1;
	_ =	swait.ge [sflag:s8], $0x10000  }
.Ltmp0:
0x39: {  	s30 =	sshll.u32 s17, $0x4;
	[sflag:s8] =	ssyncset.done $0x0;
	(pc) =	sbr.rel @!p0 .LBB2_2-.Ltmp0, $4  }
0x3a: {  	s16 =	sadd.s32 s18, s30;
	[sflag:s8] =	ssyncadd.s32 $0xFFFF0000  }
0x3b: {  	[hbm4b:s16+s2] =	stream.linear.scatter [tilespmem:s9], [sflag:$0x2], $0x10000, $0x38;
	[tilespmem:$0x10200] =	vst v63  }
0x3c: {  	_ =	swait.ge [sflag:s5], $0x10000  }
0x3d: {  	s17 =	sadd.s32 $0xFFFFFFFF, s31;
	[sflag:s5] =	ssyncset.done $0x0  }
.LBB2_1:
0x3e: {  	p0 =	sne.s32 s17, $0x1;
	s17 =	sadd.s32 $0xFFFFFFFF, s17;
	[sflag:s5] =	ssyncadd.s32 $0xFFFF0000  }
0x3f: {  	[tilespmem:s2], [sflag:$0x2] =	stream.strided.gather [hbm4b:s3+s4], $0x200, s6, s4, $0x38;
	[tilespmem:$0x10200] =	vst v63  }
0x40: {  	_ =	swait.ge [sflag:s5], $0x200  }
0x41: {  	[sflag:s5] =	ssyncset.done $0x0  }
0x42: {  	[sflag:s5] =	ssyncadd.s32 $0xFFFFFE00  }
0x43: {  	[tilespmem:s9], [sflag:$0x1] =	stream.indirect.gather [hbm4b:s7+s9], $0x80, s2, s9, $0xb8;
	[tilespmem:$0x10200] =	vst v63  }
0x44: {  	_ =	swait.ge [sflag:s8], $0x10000  }
0x45: {  	[sflag:s8] =	ssyncset.done $0x0  }
0x46: {  	[sflag:s8] =	ssyncadd.s32 $0xFFFF0000  }
0x47: {  	[hbm4b:s10+s2] =	stream.linear.scatter [tilespmem:s9], [sflag:$0x2], $0x10000, $0x38;
	[tilespmem:$0x10200] =	vst v63  }
0x48: {  	_ =	swait.ge [sflag:s5], $0x10000  }
0x49: {  	[sflag:s5] =	ssyncset.done $0x0  }
0x4a: {  	[sflag:s5] =	ssyncadd.s32 $0xFFFF0000  }
0x4b: {  	[tilespmem:s2], [sflag:$0x2] =	stream.strided.gather [hbm4b:s11+s4], $0x200, s6, s4, $0x38;
	[tilespmem:$0x10200] =	vst v63  }
0x4c: {  	_ =	swait.ge [sflag:s5], $0x200  }
0x4d: {  	[sflag:s5] =	ssyncset.done $0x0  }
0x4e: {  	[sflag:s5] =	ssyncadd.s32 $0xFFFFFE00  }
0x4f: {  	[tilespmem:s9], [sflag:$0x1] =	stream.indirect.gather [hbm4b:s7+s9], $0x80, s2, s9, $0xb8;
	[tilespmem:$0x10200] =	vst v63  }
0x50: {  	_ =	swait.ge [sflag:s8], $0x10000  }
0x51: {  	[sflag:s8] =	ssyncset.done $0x0  }
0x52: {  	[sflag:s8] =	ssyncadd.s32 $0xFFFF0000  }
0x53: {  	[hbm4b:s12+s2] =	stream.linear.scatter [tilespmem:s9], [sflag:$0x2], $0x10000, $0x38;
	[tilespmem:$0x10200] =	vst v63  }
0x54: {  	_ =	swait.ge [sflag:s5], $0x10000  }
0x55: {  	[sflag:s5] =	ssyncset.done $0x0  }
0x56: {  	[sflag:s5] =	ssyncadd.s32 $0xFFFF0000  }
0x57: {  	[tilespmem:s2], [sflag:$0x2] =	stream.strided.gather [hbm4b:s13+s4], $0x200, s6, s4, $0x38;
	[tilespmem:$0x10200] =	vst v63  }
0x58: {  	_ =	swait.ge [sflag:s5], $0x200  }
0x59: {  	[sflag:s5] =	ssyncset.done $0x0  }
0x5a: {  	[sflag:s5] =	ssyncadd.s32 $0xFFFFFE00  }
0x5b: {  	[tilespmem:s9], [sflag:$0x1] =	stream.indirect.gather [hbm4b:s7+s9], $0x80, s2, s9, $0xb8;
	[tilespmem:$0x10200] =	vst v63  }
0x5c: {  	_ =	swait.ge [sflag:s8], $0x10000  }
0x5d: {  	[sflag:s8] =	ssyncset.done $0x0  }
0x5e: {  	[sflag:s8] =	ssyncadd.s32 $0xFFFF0000  }
0x5f: {  	[hbm4b:s14+s2] =	stream.linear.scatter [tilespmem:s9], [sflag:$0x2], $0x10000, $0x38;
	[tilespmem:$0x10200] =	vst v63  }
0x60: {  	_ =	swait.ge [sflag:s5], $0x10000  }
0x61: {  	[sflag:s5] =	ssyncset.done $0x0  }
0x62: {  	[sflag:s5] =	ssyncadd.s32 $0xFFFF0000  }
0x63: {  	[tilespmem:s2], [sflag:$0x2] =	stream.strided.gather [hbm4b:s15+s4], $0x200, s6, s4, $0x38;
	[tilespmem:$0x10200] =	vst v63  }
0x64: {  	_ =	swait.ge [sflag:s5], $0x200  }
0x65: {  	[sflag:s5] =	ssyncset.done $0x0  }
0x66: {  	[sflag:s5] =	ssyncadd.s32 $0xFFFFFE00  }
0x67: {  	[tilespmem:s9], [sflag:$0x1] =	stream.indirect.gather [hbm4b:s7+s9], $0x80, s2, s9, $0xb8;
	[tilespmem:$0x10200] =	vst v63  }
0x68: {  	_ =	swait.ge [sflag:s8], $0x10000  }
.Ltmp1:
0x69: {  	[sflag:s8] =	ssyncset.done $0x0;
	(pc) =	sbr.rel @p0 .LBB2_1-.Ltmp1, $4  }
0x6a: {  	[sflag:s8] =	ssyncadd.s32 $0xFFFF0000  }
0x6b: {  	[hbm4b:s16+s2] =	stream.linear.scatter [tilespmem:s9], [sflag:$0x2], $0x10000, $0x38;
	[tilespmem:$0x10200] =	vst v63  }
0x6c: {  	_ =	swait.ge [sflag:s5], $0x10000  }
0x6d: {  	[sflag:s5] =	ssyncset.done $0x0  }
.LBB2_2:
0x6e: {  	[sflag:s5] =	ssyncadd.s32 $0xFFFF0000  }
0x6f: {  	_ =	sfence.sel $0x180000  }
0x70: {  	[bflag:$0x0] =	sbarrier.arrive $0xFFFF  }
0x71: {  	p0 =	sne.s32 s0, $0x0;
	_ =	strace $0x90000047  }
0x72: {  	s0 =	sadd.s32 @!p0 $0x100000, s1;
	[bflag:$0x2] =	sbarrier.arrive $0xFFFF  }
0x73: {  	[sflag:s0] =	ssyncadd.tile.s32 @!p0 $0x1;
	_ =	shalt  }
.Lfunc_end2:
_tile_overlayer_lowered:
.L_overlay_start_2:
0x74: {  	(tag) =	ssettag $0x2  }
0x75: {  	s0 =	rddreg [dreg:$0x0];
	s2 =	stileid.u32  }
0x76: {  	s1 =	rddreg [dreg:$0x1];
	p0 =	sne.s32 s2, $0x0  }
0x77: {  	s3 =	rddreg [dreg:$0x2];
	[bflag:$0x3] =	sbarrier.arrive $0xFFFF;
	s2 =	simm.s32 @!p0 $0x1C02  }
0x78: {  	[timem:s3], [sflag:s2] =	dma.local @!p0 [hbm:s0], s1  }
0x79: {  	s0 =	simm.s32 @!p0 $0x2  }
0x7a: {  	_ =	swait.ge @!p0 [sflag:s0], s1  }
0x7b: {  	s1 =	ssub.s32 @!p0 $0x0, s1;
	[sflag:s0] =	ssyncset.done @!p0 $0x0  }
0x7c: {  	[sflag:s0] =	ssyncadd.s32 @!p0 s1  }
0x7d: {  	[bflag:$0x3] =	sbarrier.arrive $0xFFFF  }
0x7e: {  	_ =	shalt  }

</sc_bundles>
